<compile_context>
chip_gen: v7x
topology: tpu7x:2x2x1
jax: 0.10.2.dev20260603
libtpu: 0.0.44.dev20260713+nightly
codegen_flags: <defaults>
</compile_context>

<pallas_src>
import jax
import jax.numpy as jnp
from jax import lax
from jax.experimental import pallas as pl
from jax.experimental.pallas import tpu as pltpu
from jax.experimental.pallas import tpu_sc as plsc

N = 10000
NP = 10240
E = 320000
D = 128
PW = 16
NC, NS = 2, 16
NW = NC * NS
EPW = E // NW
CH = 125
NCHUNK = EPW // CH
CW = 8
RPT = NP // NS
FP32 = jnp.float32


def _make_agg(width, with_counts):
  mesh = plsc.VectorSubcoreMesh(
      core_axis_name="c", subcore_axis_name="s", num_cores=NC, num_subcores=NS)
  scratch = [
      pltpu.VMEM((CH, width), FP32),
      pltpu.VMEM((CH, width), FP32),
      pltpu.VMEM((2, CH), jnp.int32),
      pltpu.VMEM((2, CH), jnp.int32),
      pltpu.VMEM((2, CH), jnp.int32),
      pltpu.VMEM((2, CH), jnp.int32),
      pltpu.VMEM_SHARED((NP, width), FP32),
  ] + [pltpu.SemaphoreType.DMA] * 8
  out_types = [jax.ShapeDtypeStruct((NC, NP, width), FP32)]
  if with_counts:
    scratch += [
        pltpu.VMEM((CH, CW), FP32),
        pltpu.VMEM_SHARED((NP, CW), FP32),
    ]
    out_types.append(jax.ShapeDtypeStruct((NC, NP, CW), FP32))

  def body(table, eim, zrows, *refs):
    if with_counts:
      (zcnt, ones_h, sum_out, cnt_out, rows0, rows1, is0, is1, is2, is3,
       acc_sh, i0, i1, i2, i3, g0, g1, ss0, ss1, ones_v, cnt_sh) = refs
    else:
      (sum_out, rows0, rows1, is0, is1, is2, is3,
       acc_sh, i0, i1, i2, i3, g0, g1, ss0, ss1) = refs
      zcnt = ones_h = cnt_out = ones_v = cnt_sh = None
    rows = (rows0, rows1)
    islot = (is0, is1, is2, is3)
    isem = (i0, i1, i2, i3)
    gsem = (g0, g1)
    ssem = (ss0, ss1)
    c = lax.axis_index("c")
    s = lax.axis_index("s")
    wid = s * NC + c

    base = s * RPT
    pltpu.sync_copy(zrows, acc_sh.at[pl.ds(base, RPT)])
    if with_counts:
      pltpu.sync_copy(ones_h, ones_v)
      pltpu.sync_copy(zcnt, cnt_sh.at[pl.ds(base, RPT)])
    plsc.subcore_barrier()

    for cc in (0, 1):
      pltpu.async_copy(eim.at[wid, cc], islot[cc], isem[cc])

    def do_chunk(cdyn, k):
      b = k % 2
      s2 = (k + 2) % 4
      pltpu.make_async_copy(eim.at[wid, 0], islot[k], isem[k]).wait()
      @pl.when(cdyn >= 2)
      def _():
        pltpu.make_async_copy(rows[b], acc_sh.at[pl.ds(0, CH)], ssem[b]).wait()
        if with_counts:
          pltpu.make_async_copy(
              ones_v, cnt_sh.at[pl.ds(0, CH)], ssem[b]).wait()
      gd = pltpu.async_copy(table.at[islot[k].at[0]], rows[b], gsem[b])
      @pl.when(cdyn + 2 < NCHUNK)
      def _():
        pltpu.async_copy(eim.at[wid, cdyn + 2], islot[s2], isem[s2])
      gd.wait()
      pltpu.async_copy(rows[b], acc_sh.at[islot[k].at[1]], ssem[b], add=True)
      if with_counts:
        pltpu.async_copy(ones_v, cnt_sh.at[islot[k].at[1]], ssem[b], add=True)

    def quad(t, _):
      cb = t * 4
      for k in range(4):
        do_chunk(cb + k, k)
      return 0
    lax.fori_loop(0, NCHUNK // 4, quad, 0)
    for b in (0, 1):
      pltpu.make_async_copy(rows[b], acc_sh.at[pl.ds(0, CH)], ssem[b]).wait()
      if with_counts:
        pltpu.make_async_copy(ones_v, cnt_sh.at[pl.ds(0, CH)], ssem[b]).wait()
    plsc.subcore_barrier()

    pltpu.sync_copy(acc_sh.at[pl.ds(base, RPT)], sum_out.at[c, pl.ds(base, RPT)])
    if with_counts:
      pltpu.sync_copy(cnt_sh.at[pl.ds(base, RPT)],
                      cnt_out.at[c, pl.ds(base, RPT)])

  out_type = tuple(out_types) if with_counts else out_types[0]
  return pl.kernel(
      body, out_type=out_type, mesh=mesh, scratch_types=scratch,
      compiler_params=pltpu.CompilerParams(use_tc_tiling_on_sc=False))


_agg_l1 = _make_agg(D, with_counts=True)
_agg_l2 = _make_agg(PW, with_counts=False)

_TCR = 1000


def _tc1_body(acc_ref, cnt_ref, x_ref, w1l_ref, b1_ref, w1r_ref,
              w2l_ref, w2r_ref, p_ref, q_ref):
  cnt = jnp.maximum(cnt_ref[0][:, 0:1] + cnt_ref[1][:, 0:1], 1.0)
  mean = (acc_ref[0] + acc_ref[1]) / cnt
  h = (jnp.dot(mean, w1l_ref[...], preferred_element_type=FP32)
       + b1_ref[...]
       + jnp.dot(x_ref[...], w1r_ref[...], preferred_element_type=FP32))
  h = jnp.maximum(h, 0.0)
  p_ref[...] = jnp.dot(h, w2l_ref[...], preferred_element_type=FP32)
  q_ref[...] = jnp.dot(h, w2r_ref[...], preferred_element_type=FP32)


def _tc1(acc, cnt, x, w1lt, b1, w1rt, w2lt, w2rt):
  grid = (N // _TCR,)
  return pl.pallas_call(
      _tc1_body,
      grid=grid,
      in_specs=[
          pl.BlockSpec((NC, _TCR, D), lambda i: (0, i, 0)),
          pl.BlockSpec((NC, _TCR, CW), lambda i: (0, i, 0)),
          pl.BlockSpec((_TCR, D), lambda i: (i, 0)),
          pl.BlockSpec((D, D), lambda i: (0, 0)),
          pl.BlockSpec((1, D), lambda i: (0, 0)),
          pl.BlockSpec((D, D), lambda i: (0, 0)),
          pl.BlockSpec((D, PW), lambda i: (0, 0)),
          pl.BlockSpec((D, PW), lambda i: (0, 0)),
      ],
      out_specs=[
          pl.BlockSpec((_TCR, PW), lambda i: (i, 0)),
          pl.BlockSpec((_TCR, PW), lambda i: (i, 0)),
      ],
      out_shape=[
          jax.ShapeDtypeStruct((N, PW), FP32),
          jax.ShapeDtypeStruct((N, PW), FP32),
      ],
  )(acc, cnt, x, w1lt, b1, w1rt, w2lt, w2rt)


def _tc2_body(sump_ref, cnt_ref, q_ref, b2_ref, out_ref):
  cnt = jnp.maximum(cnt_ref[0][:, 0:1] + cnt_ref[1][:, 0:1], 1.0)
  t = (sump_ref[0] + sump_ref[1]) / cnt + q_ref[...] + b2_ref[...]
  col = lax.broadcasted_iota(jnp.int32, t.shape, 1)
  valid = col < 2
  tm = jnp.where(valid, t, -jnp.inf)
  m = jnp.max(tm, axis=1, keepdims=True)
  ssum = jnp.sum(jnp.where(valid, jnp.exp(t - m), 0.0), axis=1, keepdims=True)
  out_ref[...] = t - m - jnp.log(ssum)


def _tc2(sump, cnt, q, b2):
  grid = (N // _TCR,)
  return pl.pallas_call(
      _tc2_body,
      grid=grid,
      in_specs=[
          pl.BlockSpec((NC, _TCR, PW), lambda i: (0, i, 0)),
          pl.BlockSpec((NC, _TCR, CW), lambda i: (0, i, 0)),
          pl.BlockSpec((_TCR, PW), lambda i: (i, 0)),
          pl.BlockSpec((1, PW), lambda i: (0, 0)),
      ],
      out_specs=pl.BlockSpec((_TCR, PW), lambda i: (i, 0)),
      out_shape=jax.ShapeDtypeStruct((N, PW), FP32),
  )(sump, cnt, q, b2)


def kernel(x, edge_index, W1l, b1l, W1r, W2l, b2l, W2r):
  e2 = edge_index.astype(jnp.int32).reshape(2, NW, EPW)
  eim = e2.reshape(2, NW, NCHUNK, CH).transpose(1, 2, 0, 3)
  zrows_d = jnp.zeros((RPT, D), FP32)
  zrows_p = jnp.zeros((RPT, PW), FP32)
  zcnt = jnp.zeros((RPT, CW), FP32)
  ones_h = jnp.ones((CH, CW), FP32)
  sums, cnts = _agg_l1(x, eim, zrows_d, zcnt, ones_h)
  w1lt = W1l.T
  w1rt = W1r.T
  w2lt = jnp.zeros((D, PW), FP32).at[:, :2].set(W2l.T)
  w2rt = jnp.zeros((D, PW), FP32).at[:, :2].set(W2r.T)
  b1 = b1l.reshape(1, D)
  b2 = jnp.zeros((1, PW), FP32).at[0, :2].set(b2l)
  p, q = _tc1(sums, cnts, x, w1lt, b1, w1rt, w2lt, w2rt)
  sump = _agg_l2(p, eim, zrows_p)
  outp = _tc2(sump, cnts, q, b2)
  return outp[:, :2]

# --- scband reference (transcript-rebuilt; emitter-appended) ---
"""Pipeline reference for scband-graph-sage-6837587935744 (READ-ONLY COPY).

The authoritative reference and input builder live on the scoring server;
editing this copy changes nothing except your own understanding.
"""

import jax, jax.numpy as jnp
import numpy as np

N_NODES = 10000
N_EDGES = 320000
IN_DIM = 128
HIDDEN_DIM = 128
OUT_DIM = 2


def setup_inputs(seed: int = 0) -> dict:
    key = jax.random.key(seed)
    k1, k2, k3, k4, k5, k6, k7, k8 = jax.random.split(key, 8)
    x = jax.random.normal(k1, (N_NODES, IN_DIM), dtype=jnp.float32)
    edge_index = jax.random.randint(k2, (2, N_EDGES), 0, N_NODES, dtype=jnp.int64)
    s1 = 1.0 / np.sqrt(IN_DIM)
    s2 = 1.0 / np.sqrt(HIDDEN_DIM)
    W1l = jax.random.uniform(k3, (HIDDEN_DIM, IN_DIM), jnp.float32, -s1, s1)
    b1l = jax.random.uniform(k4, (HIDDEN_DIM,), jnp.float32, -s1, s1)
    W1r = jax.random.uniform(k5, (HIDDEN_DIM, IN_DIM), jnp.float32, -s1, s1)
    W2l = jax.random.uniform(k6, (OUT_DIM, HIDDEN_DIM), jnp.float32, -s2, s2)
    b2l = jax.random.uniform(k7, (OUT_DIM,), jnp.float32, -s2, s2)
    W2r = jax.random.uniform(k8, (OUT_DIM, HIDDEN_DIM), jnp.float32, -s2, s2)
    return {"x": x, "edge_index": edge_index, "W1l": W1l, "b1l": b1l, "W1r": W1r, "W2l": W2l, "b2l": b2l, "W2r": W2r}


def _sage_conv(x, src, dst, Wl, bl, Wr):
    # SAGEConv with mean aggregation: out = lin_l(mean_j x_j) + lin_r(x_i)
    msgs = jnp.take(x, src, axis=0)  # gather source node features per edge
    summed = jax.ops.segment_sum(msgs, dst, num_segments=x.shape[0])
    cnt = jax.ops.segment_sum(jnp.ones((src.shape[0],), x.dtype), dst, num_segments=x.shape[0])
    mean = summed / jnp.clip(cnt, 1.0, None)[:, None]
    return mean @ Wl.T + bl + x @ Wr.T


def reference(x, edge_index, W1l, b1l, W1r, W2l, b2l, W2r):
    src = edge_index[0]
    dst = edge_index[1]
    h = _sage_conv(x, src, dst, W1l, b1l, W1r)
    h = jax.nn.relu(h)
    # dropout inactive in eval mode (training=False)
    out = _sage_conv(h, src, dst, W2l, b2l, W2r)
    return jax.nn.log_softmax(out, axis=1)

if __name__ == "__main__":
    import jax
    _d = setup_inputs()
    print(jax.jit(kernel)(*tuple(_d.values())))

</pallas_src>

<mosaic_0001>
#map = affine_map<(d0, d1) -> (0, 0)>
#map1 = affine_map<(d0, d1) -> (0, 0, 0, 0)>
#map2 = affine_map<(d0, d1) -> (0, 0, 0)>
module attributes {stable_mosaic.version = 14 : i64} {
  func.func @body(%arg0: i32, %arg1: i32, %arg2: memref<10000x128xf32, #tpu.memory_space<hbm>>, %arg3: memref<32x80x2x125xi32, #tpu.memory_space<hbm>>, %arg4: memref<640x128xf32, #tpu.memory_space<hbm>>, %arg5: memref<640x8xf32, #tpu.memory_space<hbm>>, %arg6: memref<125x8xf32, #tpu.memory_space<hbm>>, %arg7: memref<2x10240x128xf32, #tpu.memory_space<hbm>>, %arg8: memref<2x10240x8xf32, #tpu.memory_space<hbm>>, %arg9: memref<125x128xf32, #tpu.memory_space<vmem>>, %arg10: memref<125x128xf32, #tpu.memory_space<vmem>>, %arg11: memref<2x125xi32, #tpu.memory_space<vmem>>, %arg12: memref<2x125xi32, #tpu.memory_space<vmem>>, %arg13: memref<2x125xi32, #tpu.memory_space<vmem>>, %arg14: memref<2x125xi32, #tpu.memory_space<vmem>>, %arg15: memref<10240x128xf32, #tpu.memory_space<vmem_shared>>, %arg16: memref<!tpu.dma_semaphore, #tpu.memory_space<semaphore_mem>>, %arg17: memref<!tpu.dma_semaphore, #tpu.memory_space<semaphore_mem>>, %arg18: memref<!tpu.dma_semaphore, #tpu.memory_space<semaphore_mem>>, %arg19: memref<!tpu.dma_semaphore, #tpu.memory_space<semaphore_mem>>, %arg20: memref<!tpu.dma_semaphore, #tpu.memory_space<semaphore_mem>>, %arg21: memref<!tpu.dma_semaphore, #tpu.memory_space<semaphore_mem>>, %arg22: memref<!tpu.dma_semaphore, #tpu.memory_space<semaphore_mem>>, %arg23: memref<!tpu.dma_semaphore, #tpu.memory_space<semaphore_mem>>, %arg24: memref<125x8xf32, #tpu.memory_space<vmem>>, %arg25: memref<10240x8xf32, #tpu.memory_space<vmem_shared>>) attributes {dimension_semantics = [#tpu.dimension_semantics<core_parallel>, #tpu.dimension_semantics<subcore_parallel>], iteration_bounds = array<i64: 2, 16>, scalar_prefetch = 0 : i64, scratch_operands = 17 : i64, tpu.core_type = #tpu.core_type<sc_vector_subcore>, window_params = [{transform_indices = #map}, {transform_indices = #map1}, {transform_indices = #map}, {transform_indices = #map}, {transform_indices = #map}, {transform_indices = #map2}, {transform_indices = #map2}]} {
    %mul3A = arith.constant 2 : i32
    %mul3A_0 = arith.muli %arg1, %mul3A : i32
    %add3A = arith.addi %mul3A_0, %arg0 : i32
    %mul3A_1 = arith.constant 640 : i32
    %mul3A_2 = arith.muli %arg1, %mul3A_1 : i32
    "tpu.region"() ({
      %run_scoped3A = tpu.sem_alloc : memref<!tpu.dma_semaphore, #tpu.memory_space<semaphore_mem>>
      %dma_start3A_50 = arith.constant 0 : i32
      %dma_start3A_51 = tpu.memref_slice %arg15[%mul3A_2, %dma_start3A_50] : memref<10240x128xf32, #tpu.memory_space<vmem_shared>> -> memref<640x128xf32, #tpu.memory_space<vmem_shared>>
      tpu.enqueue_dma source(%arg4 : memref<640x128xf32, #tpu.memory_space<hbm>>) target(%dma_start3A_51 : memref<640x128xf32, #tpu.memory_space<vmem_shared>>) target_semaphore(%run_scoped3A : memref<!tpu.dma_semaphore, #tpu.memory_space<semaphore_mem>>)
      %dma_wait3A_52 = arith.constant 0 : i32
      %dma_wait3A_53 = tpu.memref_slice %arg15[%mul3A_2, %dma_wait3A_52] : memref<10240x128xf32, #tpu.memory_space<vmem_shared>> -> memref<640x128xf32, #tpu.memory_space<vmem_shared>>
      tpu.wait_dma2 semaphore(%run_scoped3A : memref<!tpu.dma_semaphore, #tpu.memory_space<semaphore_mem>>) src(%arg4 : memref<640x128xf32, #tpu.memory_space<hbm>>) dst(%dma_wait3A_53 : memref<640x128xf32, #tpu.memory_space<vmem_shared>>)
      tpu.yield
    }) : () -> ()
    "tpu.region"() ({
      %run_scoped3A = tpu.sem_alloc : memref<!tpu.dma_semaphore, #tpu.memory_space<semaphore_mem>>
      tpu.enqueue_dma source(%arg6 : memref<125x8xf32, #tpu.memory_space<hbm>>) target(%arg24 : memref<125x8xf32, #tpu.memory_space<vmem>>) target_semaphore(%run_scoped3A : memref<!tpu.dma_semaphore, #tpu.memory_space<semaphore_mem>>)
      tpu.wait_dma2 semaphore(%run_scoped3A : memref<!tpu.dma_semaphore, #tpu.memory_space<semaphore_mem>>) src(%arg6 : memref<125x8xf32, #tpu.memory_space<hbm>>) dst(%arg24 : memref<125x8xf32, #tpu.memory_space<vmem>>)
      tpu.yield
    }) : () -> ()
    "tpu.region"() ({
      %run_scoped3A = tpu.sem_alloc : memref<!tpu.dma_semaphore, #tpu.memory_space<semaphore_mem>>
      %dma_start3A_50 = arith.constant 0 : i32
      %dma_start3A_51 = tpu.memref_slice %arg25[%mul3A_2, %dma_start3A_50] : memref<10240x8xf32, #tpu.memory_space<vmem_shared>> -> memref<640x8xf32, #tpu.memory_space<vmem_shared>>
      tpu.enqueue_dma source(%arg5 : memref<640x8xf32, #tpu.memory_space<hbm>>) target(%dma_start3A_51 : memref<640x8xf32, #tpu.memory_space<vmem_shared>>) target_semaphore(%run_scoped3A : memref<!tpu.dma_semaphore, #tpu.memory_space<semaphore_mem>>)
      %dma_wait3A_52 = arith.constant 0 : i32
      %dma_wait3A_53 = tpu.memref_slice %arg25[%mul3A_2, %dma_wait3A_52] : memref<10240x8xf32, #tpu.memory_space<vmem_shared>> -> memref<640x8xf32, #tpu.memory_space<vmem_shared>>
      tpu.wait_dma2 semaphore(%run_scoped3A : memref<!tpu.dma_semaphore, #tpu.memory_space<semaphore_mem>>) src(%arg5 : memref<640x8xf32, #tpu.memory_space<hbm>>) dst(%dma_wait3A_53 : memref<640x8xf32, #tpu.memory_space<vmem_shared>>)
      tpu.yield
    }) : () -> ()
    %barrier3A = arith.constant 0 : index
    tpu.barrier barrier_id(%barrier3A)
    %dma_start3A = arith.constant 0 : i32
    %dma_start3A_3 = arith.constant 0 : i32
    %dma_start3A_4 = arith.constant 0 : i32
    %dma_start3A_5 = tpu.memref_slice %arg3[%add3A, %dma_start3A, %dma_start3A_3, %dma_start3A_4] : memref<32x80x2x125xi32, #tpu.memory_space<hbm>> -> memref<1x1x2x125xi32, #tpu.memory_space<hbm>>
    %dma_start3A_6 = tpu.memref_squeeze %dma_start3A_5 : memref<1x1x2x125xi32, #tpu.memory_space<hbm>> -> memref<2x125xi32, #tpu.memory_space<hbm>>
    %dma_start3A_7 = arith.constant 0 : i32
    %dma_start3A_8 = arith.constant 0 : i32
    %dma_start3A_9 = tpu.memref_slice %arg3[%add3A, %dma_start3A, %dma_start3A_7, %dma_start3A_8] : memref<32x80x2x125xi32, #tpu.memory_space<hbm>> -> memref<1x1x2x125xi32, #tpu.memory_space<hbm>>
    %dma_start3A_10 = tpu.memref_squeeze %dma_start3A_9 : memref<1x1x2x125xi32, #tpu.memory_space<hbm>> -> memref<2x125xi32, #tpu.memory_space<hbm>>
    tpu.enqueue_dma source(%dma_start3A_10 : memref<2x125xi32, #tpu.memory_space<hbm>>) target(%arg11 : memref<2x125xi32, #tpu.memory_space<vmem>>) target_semaphore(%arg16 : memref<!tpu.dma_semaphore, #tpu.memory_space<semaphore_mem>>)
    %dma_start3A_11 = arith.constant 1 : i32
    %dma_start3A_12 = arith.constant 0 : i32
    %dma_start3A_13 = arith.constant 0 : i32
    %dma_start3A_14 = tpu.memref_slice %arg3[%add3A, %dma_start3A_11, %dma_start3A_12, %dma_start3A_13] : memref<32x80x2x125xi32, #tpu.memory_space<hbm>> -> memref<1x1x2x125xi32, #tpu.memory_space<hbm>>
    %dma_start3A_15 = tpu.memref_squeeze %dma_start3A_14 : memref<1x1x2x125xi32, #tpu.memory_space<hbm>> -> memref<2x125xi32, #tpu.memory_space<hbm>>
    %dma_start3A_16 = arith.constant 0 : i32
    %dma_start3A_17 = arith.constant 0 : i32
    %dma_start3A_18 = tpu.memref_slice %arg3[%add3A, %dma_start3A_11, %dma_start3A_16, %dma_start3A_17] : memref<32x80x2x125xi32, #tpu.memory_space<hbm>> -> memref<1x1x2x125xi32, #tpu.memory_space<hbm>>
    %dma_start3A_19 = tpu.memref_squeeze %dma_start3A_18 : memref<1x1x2x125xi32, #tpu.memory_space<hbm>> -> memref<2x125xi32, #tpu.memory_space<hbm>>
    tpu.enqueue_dma source(%dma_start3A_19 : memref<2x125xi32, #tpu.memory_space<hbm>>) target(%arg12 : memref<2x125xi32, #tpu.memory_space<vmem>>) target_semaphore(%arg17 : memref<!tpu.dma_semaphore, #tpu.memory_space<semaphore_mem>>)
    %scan3A = arith.constant 0 : i32
    %scan3A_20 = arith.constant 0 : i32
    %scan3A_21 = arith.constant 20 : i32
    %scan3A_22 = arith.addi %scan3A_20, %scan3A_21 : i32
    %scan3A_23 = arith.constant 1 : i32
    %scan3A_24 = scf.for %scan3A_50 = %scan3A_20 to %scan3A_22 step %scan3A_23 iter_args(%scan3A_51 = %scan3A) -> (i32)  : i32 {
      %mul3A_52 = arith.constant 4 : i32
      %mul3A_53 = arith.muli %scan3A_50, %mul3A_52 : i32
      %add3A_54 = arith.constant 0 : i32
      %add3A_55 = arith.addi %mul3A_53, %add3A_54 : i32
      %dma_wait3A_56 = arith.constant 0 : i32
      %dma_wait3A_57 = arith.constant 0 : i32
      %dma_wait3A_58 = arith.constant 0 : i32
      %dma_wait3A_59 = tpu.memref_slice %arg3[%add3A, %dma_wait3A_56, %dma_wait3A_57, %dma_wait3A_58] : memref<32x80x2x125xi32, #tpu.memory_space<hbm>> -> memref<1x1x2x125xi32, #tpu.memory_space<hbm>>
      %dma_wait3A_60 = tpu.memref_squeeze %dma_wait3A_59 : memref<1x1x2x125xi32, #tpu.memory_space<hbm>> -> memref<2x125xi32, #tpu.memory_space<hbm>>
      %dma_wait3A_61 = arith.constant 0 : i32
      %dma_wait3A_62 = arith.constant 0 : i32
      %dma_wait3A_63 = tpu.memref_slice %arg3[%add3A, %dma_wait3A_56, %dma_wait3A_61, %dma_wait3A_62] : memref<32x80x2x125xi32, #tpu.memory_space<hbm>> -> memref<1x1x2x125xi32, #tpu.memory_space<hbm>>
      %dma_wait3A_64 = tpu.memref_squeeze %dma_wait3A_63 : memref<1x1x2x125xi32, #tpu.memory_space<hbm>> -> memref<2x125xi32, #tpu.memory_space<hbm>>
      tpu.wait_dma2 semaphore(%arg16 : memref<!tpu.dma_semaphore, #tpu.memory_space<semaphore_mem>>) src(%dma_wait3A_64 : memref<2x125xi32, #tpu.memory_space<hbm>>) dst(%arg11 : memref<2x125xi32, #tpu.memory_space<vmem>>)
      %ge3A = arith.constant 2 : i32
      %ge3A_65 = arith.cmpi sge, %add3A_55, %ge3A : i32
      %convert_element_type3A = arith.extui %ge3A_65 : i1 to i32
      %cond3A = arith.constant 0 : i32
      %cond3A_66 = arith.cmpi ne, %convert_element_type3A, %cond3A : i32
      scf.if %cond3A_66 {
        %dma_wait3A_255 = arith.constant 0 : i32
        %dma_wait3A_256 = arith.constant 0 : i32
        %dma_wait3A_257 = tpu.memref_slice %arg15[%dma_wait3A_255, %dma_wait3A_256] : memref<10240x128xf32, #tpu.memory_space<vmem_shared>> -> memref<125x128xf32, #tpu.memory_space<vmem_shared>>
        %dma_wait3A_258 = arith.constant 0 : i32
        %dma_wait3A_259 = arith.constant 0 : i32
        %dma_wait3A_260 = tpu.memref_slice %arg15[%dma_wait3A_258, %dma_wait3A_259] : memref<10240x128xf32, #tpu.memory_space<vmem_shared>> -> memref<125x128xf32, #tpu.memory_space<vmem_shared>>
        tpu.wait_dma2 semaphore(%arg22 : memref<!tpu.dma_semaphore, #tpu.memory_space<semaphore_mem>>) src(%arg9 : memref<125x128xf32, #tpu.memory_space<vmem>>) dst(%dma_wait3A_260 : memref<125x128xf32, #tpu.memory_space<vmem_shared>>)
        %dma_wait3A_261 = arith.constant 0 : i32
        %dma_wait3A_262 = arith.constant 0 : i32
        %dma_wait3A_263 = tpu.memref_slice %arg25[%dma_wait3A_261, %dma_wait3A_262] : memref<10240x8xf32, #tpu.memory_space<vmem_shared>> -> memref<125x8xf32, #tpu.memory_space<vmem_shared>>
        %dma_wait3A_264 = arith.constant 0 : i32
        %dma_wait3A_265 = arith.constant 0 : i32
        %dma_wait3A_266 = tpu.memref_slice %arg25[%dma_wait3A_264, %dma_wait3A_265] : memref<10240x8xf32, #tpu.memory_space<vmem_shared>> -> memref<125x8xf32, #tpu.memory_space<vmem_shared>>
        tpu.wait_dma2 semaphore(%arg22 : memref<!tpu.dma_semaphore, #tpu.memory_space<semaphore_mem>>) src(%arg24 : memref<125x8xf32, #tpu.memory_space<vmem>>) dst(%dma_wait3A_266 : memref<125x8xf32, #tpu.memory_space<vmem_shared>>)
      } else {
      }
      %dma_start3A_67 = arith.constant 0 : i32
      %dma_start3A_68 = arith.constant 0 : i32
      %dma_start3A_69 = tpu.memref_slice %arg11[%dma_start3A_67, %dma_start3A_68] : memref<2x125xi32, #tpu.memory_space<vmem>> -> memref<1x125xi32, #tpu.memory_space<vmem>>
      %dma_start3A_70 = tpu.memref_squeeze %dma_start3A_69 : memref<1x125xi32, #tpu.memory_space<vmem>> -> memref<125xi32, #tpu.memory_space<vmem>>
      %dma_start3A_71 = arith.constant 0 : i32
      %dma_start3A_72 = arith.constant 0 : i32
      %dma_start3A_73 = tpu.memref_slice %arg2[%dma_start3A_71, %dma_start3A_72] : memref<10000x128xf32, #tpu.memory_space<hbm>> -> memref<10000x128xf32, #tpu.memory_space<hbm>>
      tpu.enqueue_indirect_dma source(%dma_start3A_73 : memref<10000x128xf32, #tpu.memory_space<hbm>>) target(%arg9 : memref<125x128xf32, #tpu.memory_space<vmem>>) offsets(%dma_start3A_70 : memref<125xi32, #tpu.memory_space<vmem>>) semaphore(%arg20 : memref<!tpu.dma_semaphore, #tpu.memory_space<semaphore_mem>>)
      %add3A_74 = arith.constant 2 : i32
      %add3A_75 = arith.addi %add3A_55, %add3A_74 : i32
      %lt3A = arith.constant 80 : i32
      %lt3A_76 = arith.cmpi slt, %add3A_75, %lt3A : i32
      %convert_element_type3A_77 = arith.extui %lt3A_76 : i1 to i32
      %cond3A_78 = arith.constant 0 : i32
      %cond3A_79 = arith.cmpi ne, %convert_element_type3A_77, %cond3A_78 : i32
      scf.if %cond3A_79 {
        %add3A_255 = arith.constant 2 : i32
        %add3A_256 = arith.addi %add3A_55, %add3A_255 : i32
        %dma_start3A_257 = arith.constant 0 : i32
        %dma_start3A_258 = arith.constant 0 : i32
        %dma_start3A_259 = tpu.memref_slice %arg3[%add3A, %add3A_256, %dma_start3A_257, %dma_start3A_258] : memref<32x80x2x125xi32, #tpu.memory_space<hbm>> -> memref<1x1x2x125xi32, #tpu.memory_space<hbm>>
        %dma_start3A_260 = tpu.memref_squeeze %dma_start3A_259 : memref<1x1x2x125xi32, #tpu.memory_space<hbm>> -> memref<2x125xi32, #tpu.memory_space<hbm>>
        %dma_start3A_261 = arith.constant 0 : i32
        %dma_start3A_262 = arith.constant 0 : i32
        %dma_start3A_263 = tpu.memref_slice %arg3[%add3A, %add3A_256, %dma_start3A_261, %dma_start3A_262] : memref<32x80x2x125xi32, #tpu.memory_space<hbm>> -> memref<1x1x2x125xi32, #tpu.memory_space<hbm>>
        %dma_start3A_264 = tpu.memref_squeeze %dma_start3A_263 : memref<1x1x2x125xi32, #tpu.memory_space<hbm>> -> memref<2x125xi32, #tpu.memory_space<hbm>>
        tpu.enqueue_dma source(%dma_start3A_264 : memref<2x125xi32, #tpu.memory_space<hbm>>) target(%arg13 : memref<2x125xi32, #tpu.memory_space<vmem>>) target_semaphore(%arg18 : memref<!tpu.dma_semaphore, #tpu.memory_space<semaphore_mem>>)
      } else {
      }
      %dma_wait3A_80 = arith.constant 0 : i32
      %dma_wait3A_81 = arith.constant 0 : i32
      %dma_wait3A_82 = tpu.memref_slice %arg11[%dma_wait3A_80, %dma_wait3A_81] : memref<2x125xi32, #tpu.memory_space<vmem>> -> memref<1x125xi32, #tpu.memory_space<vmem>>
      %dma_wait3A_83 = tpu.memref_squeeze %dma_wait3A_82 : memref<1x125xi32, #tpu.memory_space<vmem>> -> memref<125xi32, #tpu.memory_space<vmem>>
      %dma_wait3A_84 = arith.constant 0 : i32
      %dma_wait3A_85 = arith.constant 0 : i32
      %dma_wait3A_86 = tpu.memref_slice %arg2[%dma_wait3A_84, %dma_wait3A_85] : memref<10000x128xf32, #tpu.memory_space<hbm>> -> memref<10000x128xf32, #tpu.memory_space<hbm>>
      tpu.wait_indirect_dma semaphore(%arg20 : memref<!tpu.dma_semaphore, #tpu.memory_space<semaphore_mem>>) src(%dma_wait3A_86 : memref<10000x128xf32, #tpu.memory_space<hbm>>) dst(%arg9 : memref<125x128xf32, #tpu.memory_space<vmem>>)
      %dma_start3A_87 = arith.constant 1 : i32
      %dma_start3A_88 = arith.constant 0 : i32
      %dma_start3A_89 = tpu.memref_slice %arg11[%dma_start3A_87, %dma_start3A_88] : memref<2x125xi32, #tpu.memory_space<vmem>> -> memref<1x125xi32, #tpu.memory_space<vmem>>
      %dma_start3A_90 = tpu.memref_squeeze %dma_start3A_89 : memref<1x125xi32, #tpu.memory_space<vmem>> -> memref<125xi32, #tpu.memory_space<vmem>>
      %dma_start3A_91 = arith.constant 0 : i32
      %dma_start3A_92 = arith.constant 0 : i32
      %dma_start3A_93 = tpu.memref_slice %arg15[%dma_start3A_91, %dma_start3A_92] : memref<10240x128xf32, #tpu.memory_space<vmem_shared>> -> memref<10240x128xf32, #tpu.memory_space<vmem_shared>>
      tpu.enqueue_indirect_dma source(%arg9 : memref<125x128xf32, #tpu.memory_space<vmem>>) target(%dma_start3A_93 : memref<10240x128xf32, #tpu.memory_space<vmem_shared>>) offsets(%dma_start3A_90 : memref<125xi32, #tpu.memory_space<vmem>>) semaphore(%arg22 : memref<!tpu.dma_semaphore, #tpu.memory_space<semaphore_mem>>) {add = true}
      %dma_start3A_94 = arith.constant 1 : i32
      %dma_start3A_95 = arith.constant 0 : i32
      %dma_start3A_96 = tpu.memref_slice %arg11[%dma_start3A_94, %dma_start3A_95] : memref<2x125xi32, #tpu.memory_space<vmem>> -> memref<1x125xi32, #tpu.memory_space<vmem>>
      %dma_start3A_97 = tpu.memref_squeeze %dma_start3A_96 : memref<1x125xi32, #tpu.memory_space<vmem>> -> memref<125xi32, #tpu.memory_space<vmem>>
      %dma_start3A_98 = arith.constant 0 : i32
      %dma_start3A_99 = arith.constant 0 : i32
      %dma_start3A_100 = tpu.memref_slice %arg25[%dma_start3A_98, %dma_start3A_99] : memref<10240x8xf32, #tpu.memory_space<vmem_shared>> -> memref<10240x8xf32, #tpu.memory_space<vmem_shared>>
      tpu.enqueue_indirect_dma source(%arg24 : memref<125x8xf32, #tpu.memory_space<vmem>>) target(%dma_start3A_100 : memref<10240x8xf32, #tpu.memory_space<vmem_shared>>) offsets(%dma_start3A_97 : memref<125xi32, #tpu.memory_space<vmem>>) semaphore(%arg22 : memref<!tpu.dma_semaphore, #tpu.memory_space<semaphore_mem>>) {add = true}
      %add3A_101 = arith.constant 1 : i32
      %add3A_102 = arith.addi %mul3A_53, %add3A_101 : i32
      %dma_wait3A_103 = arith.constant 0 : i32
      %dma_wait3A_104 = arith.constant 0 : i32
      %dma_wait3A_105 = arith.constant 0 : i32
      %dma_wait3A_106 = tpu.memref_slice %arg3[%add3A, %dma_wait3A_103, %dma_wait3A_104, %dma_wait3A_105] : memref<32x80x2x125xi32, #tpu.memory_space<hbm>> -> memref<1x1x2x125xi32, #tpu.memory_space<hbm>>
      %dma_wait3A_107 = tpu.memref_squeeze %dma_wait3A_106 : memref<1x1x2x125xi32, #tpu.memory_space<hbm>> -> memref<2x125xi32, #tpu.memory_space<hbm>>
      %dma_wait3A_108 = arith.constant 0 : i32
      %dma_wait3A_109 = arith.constant 0 : i32
      %dma_wait3A_110 = tpu.memref_slice %arg3[%add3A, %dma_wait3A_103, %dma_wait3A_108, %dma_wait3A_109] : memref<32x80x2x125xi32, #tpu.memory_space<hbm>> -> memref<1x1x2x125xi32, #tpu.memory_space<hbm>>
      %dma_wait3A_111 = tpu.memref_squeeze %dma_wait3A_110 : memref<1x1x2x125xi32, #tpu.memory_space<hbm>> -> memref<2x125xi32, #tpu.memory_space<hbm>>
      tpu.wait_dma2 semaphore(%arg17 : memref<!tpu.dma_semaphore, #tpu.memory_space<semaphore_mem>>) src(%dma_wait3A_111 : memref<2x125xi32, #tpu.memory_space<hbm>>) dst(%arg12 : memref<2x125xi32, #tpu.memory_space<vmem>>)
      %ge3A_112 = arith.constant 2 : i32
      %ge3A_113 = arith.cmpi sge, %add3A_102, %ge3A_112 : i32
      %convert_element_type3A_114 = arith.extui %ge3A_113 : i1 to i32
      %cond3A_115 = arith.constant 0 : i32
      %cond3A_116 = arith.cmpi ne, %convert_element_type3A_114, %cond3A_115 : i32
      scf.if %cond3A_116 {
        %dma_wait3A_255 = arith.constant 0 : i32
        %dma_wait3A_256 = arith.constant 0 : i32
        %dma_wait3A_257 = tpu.memref_slice %arg15[%dma_wait3A_255, %dma_wait3A_256] : memref<10240x128xf32, #tpu.memory_space<vmem_shared>> -> memref<125x128xf32, #tpu.memory_space<vmem_shared>>
        %dma_wait3A_258 = arith.constant 0 : i32
        %dma_wait3A_259 = arith.constant 0 : i32
        %dma_wait3A_260 = tpu.memref_slice %arg15[%dma_wait3A_258, %dma_wait3A_259] : memref<10240x128xf32, #tpu.memory_space<vmem_shared>> -> memref<125x128xf32, #tpu.memory_space<vmem_shared>>
        tpu.wait_dma2 semaphore(%arg23 : memref<!tpu.dma_semaphore, #tpu.memory_space<semaphore_mem>>) src(%arg10 : memref<125x128xf32, #tpu.memory_space<vmem>>) dst(%dma_wait3A_260 : memref<125x128xf32, #tpu.memory_space<vmem_shared>>)
        %dma_wait3A_261 = arith.constant 0 : i32
        %dma_wait3A_262 = arith.constant 0 : i32
        %dma_wait3A_263 = tpu.memref_slice %arg25[%dma_wait3A_261, %dma_wait3A_262] : memref<10240x8xf32, #tpu.memory_space<vmem_shared>> -> memref<125x8xf32, #tpu.memory_space<vmem_shared>>
        %dma_wait3A_264 = arith.constant 0 : i32
        %dma_wait3A_265 = arith.constant 0 : i32
        %dma_wait3A_266 = tpu.memref_slice %arg25[%dma_wait3A_264, %dma_wait3A_265] : memref<10240x8xf32, #tpu.memory_space<vmem_shared>> -> memref<125x8xf32, #tpu.memory_space<vmem_shared>>
        tpu.wait_dma2 semaphore(%arg23 : memref<!tpu.dma_semaphore, #tpu.memory_space<semaphore_mem>>) src(%arg24 : memref<125x8xf32, #tpu.memory_space<vmem>>) dst(%dma_wait3A_266 : memref<125x8xf32, #tpu.memory_space<vmem_shared>>)
      } else {
      }
      %dma_start3A_117 = arith.constant 0 : i32
      %dma_start3A_118 = arith.constant 0 : i32
      %dma_start3A_119 = tpu.memref_slice %arg12[%dma_start3A_117, %dma_start3A_118] : memref<2x125xi32, #tpu.memory_space<vmem>> -> memref<1x125xi32, #tpu.memory_space<vmem>>
      %dma_start3A_120 = tpu.memref_squeeze %dma_start3A_119 : memref<1x125xi32, #tpu.memory_space<vmem>> -> memref<125xi32, #tpu.memory_space<vmem>>
      %dma_start3A_121 = arith.constant 0 : i32
      %dma_start3A_122 = arith.constant 0 : i32
      %dma_start3A_123 = tpu.memref_slice %arg2[%dma_start3A_121, %dma_start3A_122] : memref<10000x128xf32, #tpu.memory_space<hbm>> -> memref<10000x128xf32, #tpu.memory_space<hbm>>
      tpu.enqueue_indirect_dma source(%dma_start3A_123 : memref<10000x128xf32, #tpu.memory_space<hbm>>) target(%arg10 : memref<125x128xf32, #tpu.memory_space<vmem>>) offsets(%dma_start3A_120 : memref<125xi32, #tpu.memory_space<vmem>>) semaphore(%arg21 : memref<!tpu.dma_semaphore, #tpu.memory_space<semaphore_mem>>)
      %add3A_124 = arith.constant 2 : i32
      %add3A_125 = arith.addi %add3A_102, %add3A_124 : i32
      %lt3A_126 = arith.constant 80 : i32
      %lt3A_127 = arith.cmpi slt, %add3A_125, %lt3A_126 : i32
      %convert_element_type3A_128 = arith.extui %lt3A_127 : i1 to i32
      %cond3A_129 = arith.constant 0 : i32
      %cond3A_130 = arith.cmpi ne, %convert_element_type3A_128, %cond3A_129 : i32
      scf.if %cond3A_130 {
        %add3A_255 = arith.constant 2 : i32
        %add3A_256 = arith.addi %add3A_102, %add3A_255 : i32
        %dma_start3A_257 = arith.constant 0 : i32
        %dma_start3A_258 = arith.constant 0 : i32
        %dma_start3A_259 = tpu.memref_slice %arg3[%add3A, %add3A_256, %dma_start3A_257, %dma_start3A_258] : memref<32x80x2x125xi32, #tpu.memory_space<hbm>> -> memref<1x1x2x125xi32, #tpu.memory_space<hbm>>
        %dma_start3A_260 = tpu.memref_squeeze %dma_start3A_259 : memref<1x1x2x125xi32, #tpu.memory_space<hbm>> -> memref<2x125xi32, #tpu.memory_space<hbm>>
        %dma_start3A_261 = arith.constant 0 : i32
        %dma_start3A_262 = arith.constant 0 : i32
        %dma_start3A_263 = tpu.memref_slice %arg3[%add3A, %add3A_256, %dma_start3A_261, %dma_start3A_262] : memref<32x80x2x125xi32, #tpu.memory_space<hbm>> -> memref<1x1x2x125xi32, #tpu.memory_space<hbm>>
        %dma_start3A_264 = tpu.memref_squeeze %dma_start3A_263 : memref<1x1x2x125xi32, #tpu.memory_space<hbm>> -> memref<2x125xi32, #tpu.memory_space<hbm>>
        tpu.enqueue_dma source(%dma_start3A_264 : memref<2x125xi32, #tpu.memory_space<hbm>>) target(%arg14 : memref<2x125xi32, #tpu.memory_space<vmem>>) target_semaphore(%arg19 : memref<!tpu.dma_semaphore, #tpu.memory_space<semaphore_mem>>)
      } else {
      }
      %dma_wait3A_131 = arith.constant 0 : i32
      %dma_wait3A_132 = arith.constant 0 : i32
      %dma_wait3A_133 = tpu.memref_slice %arg12[%dma_wait3A_131, %dma_wait3A_132] : memref<2x125xi32, #tpu.memory_space<vmem>> -> memref<1x125xi32, #tpu.memory_space<vmem>>
      %dma_wait3A_134 = tpu.memref_squeeze %dma_wait3A_133 : memref<1x125xi32, #tpu.memory_space<vmem>> -> memref<125xi32, #tpu.memory_space<vmem>>
      %dma_wait3A_135 = arith.constant 0 : i32
      %dma_wait3A_136 = arith.constant 0 : i32
      %dma_wait3A_137 = tpu.memref_slice %arg2[%dma_wait3A_135, %dma_wait3A_136] : memref<10000x128xf32, #tpu.memory_space<hbm>> -> memref<10000x128xf32, #tpu.memory_space<hbm>>
      tpu.wait_indirect_dma semaphore(%arg21 : memref<!tpu.dma_semaphore, #tpu.memory_space<semaphore_mem>>) src(%dma_wait3A_137 : memref<10000x128xf32, #tpu.memory_space<hbm>>) dst(%arg10 : memref<125x128xf32, #tpu.memory_space<vmem>>)
      %dma_start3A_138 = arith.constant 1 : i32
      %dma_start3A_139 = arith.constant 0 : i32
      %dma_start3A_140 = tpu.memref_slice %arg12[%dma_start3A_138, %dma_start3A_139] : memref<2x125xi32, #tpu.memory_space<vmem>> -> memref<1x125xi32, #tpu.memory_space<vmem>>
      %dma_start3A_141 = tpu.memref_squeeze %dma_start3A_140 : memref<1x125xi32, #tpu.memory_space<vmem>> -> memref<125xi32, #tpu.memory_space<vmem>>
      %dma_start3A_142 = arith.constant 0 : i32
      %dma_start3A_143 = arith.constant 0 : i32
      %dma_start3A_144 = tpu.memref_slice %arg15[%dma_start3A_142, %dma_start3A_143] : memref<10240x128xf32, #tpu.memory_space<vmem_shared>> -> memref<10240x128xf32, #tpu.memory_space<vmem_shared>>
      tpu.enqueue_indirect_dma source(%arg10 : memref<125x128xf32, #tpu.memory_space<vmem>>) target(%dma_start3A_144 : memref<10240x128xf32, #tpu.memory_space<vmem_shared>>) offsets(%dma_start3A_141 : memref<125xi32, #tpu.memory_space<vmem>>) semaphore(%arg23 : memref<!tpu.dma_semaphore, #tpu.memory_space<semaphore_mem>>) {add = true}
      %dma_start3A_145 = arith.constant 1 : i32
      %dma_start3A_146 = arith.constant 0 : i32
      %dma_start3A_147 = tpu.memref_slice %arg12[%dma_start3A_145, %dma_start3A_146] : memref<2x125xi32, #tpu.memory_space<vmem>> -> memref<1x125xi32, #tpu.memory_space<vmem>>
      %dma_start3A_148 = tpu.memref_squeeze %dma_start3A_147 : memref<1x125xi32, #tpu.memory_space<vmem>> -> memref<125xi32, #tpu.memory_space<vmem>>
      %dma_start3A_149 = arith.constant 0 : i32
      %dma_start3A_150 = arith.constant 0 : i32
      %dma_start3A_151 = tpu.memref_slice %arg25[%dma_start3A_149, %dma_start3A_150] : memref<10240x8xf32, #tpu.memory_space<vmem_shared>> -> memref<10240x8xf32, #tpu.memory_space<vmem_shared>>
      tpu.enqueue_indirect_dma source(%arg24 : memref<125x8xf32, #tpu.memory_space<vmem>>) target(%dma_start3A_151 : memref<10240x8xf32, #tpu.memory_space<vmem_shared>>) offsets(%dma_start3A_148 : memref<125xi32, #tpu.memory_space<vmem>>) semaphore(%arg23 : memref<!tpu.dma_semaphore, #tpu.memory_space<semaphore_mem>>) {add = true}
      %add3A_152 = arith.constant 2 : i32
      %add3A_153 = arith.addi %mul3A_53, %add3A_152 : i32
      %dma_wait3A_154 = arith.constant 0 : i32
      %dma_wait3A_155 = arith.constant 0 : i32
      %dma_wait3A_156 = arith.constant 0 : i32
      %dma_wait3A_157 = tpu.memref_slice %arg3[%add3A, %dma_wait3A_154, %dma_wait3A_155, %dma_wait3A_156] : memref<32x80x2x125xi32, #tpu.memory_space<hbm>> -> memref<1x1x2x125xi32, #tpu.memory_space<hbm>>
      %dma_wait3A_158 = tpu.memref_squeeze %dma_wait3A_157 : memref<1x1x2x125xi32, #tpu.memory_space<hbm>> -> memref<2x125xi32, #tpu.memory_space<hbm>>
      %dma_wait3A_159 = arith.constant 0 : i32
      %dma_wait3A_160 = arith.constant 0 : i32
      %dma_wait3A_161 = tpu.memref_slice %arg3[%add3A, %dma_wait3A_154, %dma_wait3A_159, %dma_wait3A_160] : memref<32x80x2x125xi32, #tpu.memory_space<hbm>> -> memref<1x1x2x125xi32, #tpu.memory_space<hbm>>
      %dma_wait3A_162 = tpu.memref_squeeze %dma_wait3A_161 : memref<1x1x2x125xi32, #tpu.memory_space<hbm>> -> memref<2x125xi32, #tpu.memory_space<hbm>>
      tpu.wait_dma2 semaphore(%arg18 : memref<!tpu.dma_semaphore, #tpu.memory_space<semaphore_mem>>) src(%dma_wait3A_162 : memref<2x125xi32, #tpu.memory_space<hbm>>) dst(%arg13 : memref<2x125xi32, #tpu.memory_space<vmem>>)
      %ge3A_163 = arith.constant 2 : i32
      %ge3A_164 = arith.cmpi sge, %add3A_153, %ge3A_163 : i32
      %convert_element_type3A_165 = arith.extui %ge3A_164 : i1 to i32
      %cond3A_166 = arith.constant 0 : i32
      %cond3A_167 = arith.cmpi ne, %convert_element_type3A_165, %cond3A_166 : i32
      scf.if %cond3A_167 {
        %dma_wait3A_255 = arith.constant 0 : i32
        %dma_wait3A_256 = arith.constant 0 : i32
        %dma_wait3A_257 = tpu.memref_slice %arg15[%dma_wait3A_255, %dma_wait3A_256] : memref<10240x128xf32, #tpu.memory_space<vmem_shared>> -> memref<125x128xf32, #tpu.memory_space<vmem_shared>>
        %dma_wait3A_258 = arith.constant 0 : i32
        %dma_wait3A_259 = arith.constant 0 : i32
        %dma_wait3A_260 = tpu.memref_slice %arg15[%dma_wait3A_258, %dma_wait3A_259] : memref<10240x128xf32, #tpu.memory_space<vmem_shared>> -> memref<125x128xf32, #tpu.memory_space<vmem_shared>>
        tpu.wait_dma2 semaphore(%arg22 : memref<!tpu.dma_semaphore, #tpu.memory_space<semaphore_mem>>) src(%arg9 : memref<125x128xf32, #tpu.memory_space<vmem>>) dst(%dma_wait3A_260 : memref<125x128xf32, #tpu.memory_space<vmem_shared>>)
        %dma_wait3A_261 = arith.constant 0 : i32
        %dma_wait3A_262 = arith.constant 0 : i32
        %dma_wait3A_263 = tpu.memref_slice %arg25[%dma_wait3A_261, %dma_wait3A_262] : memref<10240x8xf32, #tpu.memory_space<vmem_shared>> -> memref<125x8xf32, #tpu.memory_space<vmem_shared>>
        %dma_wait3A_264 = arith.constant 0 : i32
        %dma_wait3A_265 = arith.constant 0 : i32
        %dma_wait3A_266 = tpu.memref_slice %arg25[%dma_wait3A_264, %dma_wait3A_265] : memref<10240x8xf32, #tpu.memory_space<vmem_shared>> -> memref<125x8xf32, #tpu.memory_space<vmem_shared>>
        tpu.wait_dma2 semaphore(%arg22 : memref<!tpu.dma_semaphore, #tpu.memory_space<semaphore_mem>>) src(%arg24 : memref<125x8xf32, #tpu.memory_space<vmem>>) dst(%dma_wait3A_266 : memref<125x8xf32, #tpu.memory_space<vmem_shared>>)
      } else {
      }
      %dma_start3A_168 = arith.constant 0 : i32
      %dma_start3A_169 = arith.constant 0 : i32
      %dma_start3A_170 = tpu.memref_slice %arg13[%dma_start3A_168, %dma_start3A_169] : memref<2x125xi32, #tpu.memory_space<vmem>> -> memref<1x125xi32, #tpu.memory_space<vmem>>
      %dma_start3A_171 = tpu.memref_squeeze %dma_start3A_170 : memref<1x125xi32, #tpu.memory_space<vmem>> -> memref<125xi32, #tpu.memory_space<vmem>>
      %dma_start3A_172 = arith.constant 0 : i32
      %dma_start3A_173 = arith.constant 0 : i32
      %dma_start3A_174 = tpu.memref_slice %arg2[%dma_start3A_172, %dma_start3A_173] : memref<10000x128xf32, #tpu.memory_space<hbm>> -> memref<10000x128xf32, #tpu.memory_space<hbm>>
      tpu.enqueue_indirect_dma source(%dma_start3A_174 : memref<10000x128xf32, #tpu.memory_space<hbm>>) target(%arg9 : memref<125x128xf32, #tpu.memory_space<vmem>>) offsets(%dma_start3A_171 : memref<125xi32, #tpu.memory_space<vmem>>) semaphore(%arg20 : memref<!tpu.dma_semaphore, #tpu.memory_space<semaphore_mem>>)
      %add3A_175 = arith.constant 2 : i32
      %add3A_176 = arith.addi %add3A_153, %add3A_175 : i32
      %lt3A_177 = arith.constant 80 : i32
      %lt3A_178 = arith.cmpi slt, %add3A_176, %lt3A_177 : i32
      %convert_element_type3A_179 = arith.extui %lt3A_178 : i1 to i32
      %cond3A_180 = arith.constant 0 : i32
      %cond3A_181 = arith.cmpi ne, %convert_element_type3A_179, %cond3A_180 : i32
      scf.if %cond3A_181 {
        %add3A_255 = arith.constant 2 : i32
        %add3A_256 = arith.addi %add3A_153, %add3A_255 : i32
        %dma_start3A_257 = arith.constant 0 : i32
        %dma_start3A_258 = arith.constant 0 : i32
        %dma_start3A_259 = tpu.memref_slice %arg3[%add3A, %add3A_256, %dma_start3A_257, %dma_start3A_258] : memref<32x80x2x125xi32, #tpu.memory_space<hbm>> -> memref<1x1x2x125xi32, #tpu.memory_space<hbm>>
        %dma_start3A_260 = tpu.memref_squeeze %dma_start3A_259 : memref<1x1x2x125xi32, #tpu.memory_space<hbm>> -> memref<2x125xi32, #tpu.memory_space<hbm>>
        %dma_start3A_261 = arith.constant 0 : i32
        %dma_start3A_262 = arith.constant 0 : i32
        %dma_start3A_263 = tpu.memref_slice %arg3[%add3A, %add3A_256, %dma_start3A_261, %dma_start3A_262] : memref<32x80x2x125xi32, #tpu.memory_space<hbm>> -> memref<1x1x2x125xi32, #tpu.memory_space<hbm>>
        %dma_start3A_264 = tpu.memref_squeeze %dma_start3A_263 : memref<1x1x2x125xi32, #tpu.memory_space<hbm>> -> memref<2x125xi32, #tpu.memory_space<hbm>>
        tpu.enqueue_dma source(%dma_start3A_264 : memref<2x125xi32, #tpu.memory_space<hbm>>) target(%arg11 : memref<2x125xi32, #tpu.memory_space<vmem>>) target_semaphore(%arg16 : memref<!tpu.dma_semaphore, #tpu.memory_space<semaphore_mem>>)
      } else {
      }
      %dma_wait3A_182 = arith.constant 0 : i32
      %dma_wait3A_183 = arith.constant 0 : i32
      %dma_wait3A_184 = tpu.memref_slice %arg13[%dma_wait3A_182, %dma_wait3A_183] : memref<2x125xi32, #tpu.memory_space<vmem>> -> memref<1x125xi32, #tpu.memory_space<vmem>>
      %dma_wait3A_185 = tpu.memref_squeeze %dma_wait3A_184 : memref<1x125xi32, #tpu.memory_space<vmem>> -> memref<125xi32, #tpu.memory_space<vmem>>
      %dma_wait3A_186 = arith.constant 0 : i32
      %dma_wait3A_187 = arith.constant 0 : i32
      %dma_wait3A_188 = tpu.memref_slice %arg2[%dma_wait3A_186, %dma_wait3A_187] : memref<10000x128xf32, #tpu.memory_space<hbm>> -> memref<10000x128xf32, #tpu.memory_space<hbm>>
      tpu.wait_indirect_dma semaphore(%arg20 : memref<!tpu.dma_semaphore, #tpu.memory_space<semaphore_mem>>) src(%dma_wait3A_188 : memref<10000x128xf32, #tpu.memory_space<hbm>>) dst(%arg9 : memref<125x128xf32, #tpu.memory_space<vmem>>)
      %dma_start3A_189 = arith.constant 1 : i32
      %dma_start3A_190 = arith.constant 0 : i32
      %dma_start3A_191 = tpu.memref_slice %arg13[%dma_start3A_189, %dma_start3A_190] : memref<2x125xi32, #tpu.memory_space<vmem>> -> memref<1x125xi32, #tpu.memory_space<vmem>>
      %dma_start3A_192 = tpu.memref_squeeze %dma_start3A_191 : memref<1x125xi32, #tpu.memory_space<vmem>> -> memref<125xi32, #tpu.memory_space<vmem>>
      %dma_start3A_193 = arith.constant 0 : i32
      %dma_start3A_194 = arith.constant 0 : i32
      %dma_start3A_195 = tpu.memref_slice %arg15[%dma_start3A_193, %dma_start3A_194] : memref<10240x128xf32, #tpu.memory_space<vmem_shared>> -> memref<10240x128xf32, #tpu.memory_space<vmem_shared>>
      tpu.enqueue_indirect_dma source(%arg9 : memref<125x128xf32, #tpu.memory_space<vmem>>) target(%dma_start3A_195 : memref<10240x128xf32, #tpu.memory_space<vmem_shared>>) offsets(%dma_start3A_192 : memref<125xi32, #tpu.memory_space<vmem>>) semaphore(%arg22 : memref<!tpu.dma_semaphore, #tpu.memory_space<semaphore_mem>>) {add = true}
      %dma_start3A_196 = arith.constant 1 : i32
      %dma_start3A_197 = arith.constant 0 : i32
      %dma_start3A_198 = tpu.memref_slice %arg13[%dma_start3A_196, %dma_start3A_197] : memref<2x125xi32, #tpu.memory_space<vmem>> -> memref<1x125xi32, #tpu.memory_space<vmem>>
      %dma_start3A_199 = tpu.memref_squeeze %dma_start3A_198 : memref<1x125xi32, #tpu.memory_space<vmem>> -> memref<125xi32, #tpu.memory_space<vmem>>
      %dma_start3A_200 = arith.constant 0 : i32
      %dma_start3A_201 = arith.constant 0 : i32
      %dma_start3A_202 = tpu.memref_slice %arg25[%dma_start3A_200, %dma_start3A_201] : memref<10240x8xf32, #tpu.memory_space<vmem_shared>> -> memref<10240x8xf32, #tpu.memory_space<vmem_shared>>
      tpu.enqueue_indirect_dma source(%arg24 : memref<125x8xf32, #tpu.memory_space<vmem>>) target(%dma_start3A_202 : memref<10240x8xf32, #tpu.memory_space<vmem_shared>>) offsets(%dma_start3A_199 : memref<125xi32, #tpu.memory_space<vmem>>) semaphore(%arg22 : memref<!tpu.dma_semaphore, #tpu.memory_space<semaphore_mem>>) {add = true}
      %add3A_203 = arith.constant 3 : i32
      %add3A_204 = arith.addi %mul3A_53, %add3A_203 : i32
      %dma_wait3A_205 = arith.constant 0 : i32
      %dma_wait3A_206 = arith.constant 0 : i32
      %dma_wait3A_207 = arith.constant 0 : i32
      %dma_wait3A_208 = tpu.memref_slice %arg3[%add3A, %dma_wait3A_205, %dma_wait3A_206, %dma_wait3A_207] : memref<32x80x2x125xi32, #tpu.memory_space<hbm>> -> memref<1x1x2x125xi32, #tpu.memory_space<hbm>>
      %dma_wait3A_209 = tpu.memref_squeeze %dma_wait3A_208 : memref<1x1x2x125xi32, #tpu.memory_space<hbm>> -> memref<2x125xi32, #tpu.memory_space<hbm>>
      %dma_wait3A_210 = arith.constant 0 : i32
      %dma_wait3A_211 = arith.constant 0 : i32
      %dma_wait3A_212 = tpu.memref_slice %arg3[%add3A, %dma_wait3A_205, %dma_wait3A_210, %dma_wait3A_211] : memref<32x80x2x125xi32, #tpu.memory_space<hbm>> -> memref<1x1x2x125xi32, #tpu.memory_space<hbm>>
      %dma_wait3A_213 = tpu.memref_squeeze %dma_wait3A_212 : memref<1x1x2x125xi32, #tpu.memory_space<hbm>> -> memref<2x125xi32, #tpu.memory_space<hbm>>
      tpu.wait_dma2 semaphore(%arg19 : memref<!tpu.dma_semaphore, #tpu.memory_space<semaphore_mem>>) src(%dma_wait3A_213 : memref<2x125xi32, #tpu.memory_space<hbm>>) dst(%arg14 : memref<2x125xi32, #tpu.memory_space<vmem>>)
      %ge3A_214 = arith.constant 2 : i32
      %ge3A_215 = arith.cmpi sge, %add3A_204, %ge3A_214 : i32
      %convert_element_type3A_216 = arith.extui %ge3A_215 : i1 to i32
      %cond3A_217 = arith.constant 0 : i32
      %cond3A_218 = arith.cmpi ne, %convert_element_type3A_216, %cond3A_217 : i32
      scf.if %cond3A_218 {
        %dma_wait3A_255 = arith.constant 0 : i32
        %dma_wait3A_256 = arith.constant 0 : i32
        %dma_wait3A_257 = tpu.memref_slice %arg15[%dma_wait3A_255, %dma_wait3A_256] : memref<10240x128xf32, #tpu.memory_space<vmem_shared>> -> memref<125x128xf32, #tpu.memory_space<vmem_shared>>
        %dma_wait3A_258 = arith.constant 0 : i32
        %dma_wait3A_259 = arith.constant 0 : i32
        %dma_wait3A_260 = tpu.memref_slice %arg15[%dma_wait3A_258, %dma_wait3A_259] : memref<10240x128xf32, #tpu.memory_space<vmem_shared>> -> memref<125x128xf32, #tpu.memory_space<vmem_shared>>
        tpu.wait_dma2 semaphore(%arg23 : memref<!tpu.dma_semaphore, #tpu.memory_space<semaphore_mem>>) src(%arg10 : memref<125x128xf32, #tpu.memory_space<vmem>>) dst(%dma_wait3A_260 : memref<125x128xf32, #tpu.memory_space<vmem_shared>>)
        %dma_wait3A_261 = arith.constant 0 : i32
        %dma_wait3A_262 = arith.constant 0 : i32
        %dma_wait3A_263 = tpu.memref_slice %arg25[%dma_wait3A_261, %dma_wait3A_262] : memref<10240x8xf32, #tpu.memory_space<vmem_shared>> -> memref<125x8xf32, #tpu.memory_space<vmem_shared>>
        %dma_wait3A_264 = arith.constant 0 : i32
        %dma_wait3A_265 = arith.constant 0 : i32
        %dma_wait3A_266 = tpu.memref_slice %arg25[%dma_wait3A_264, %dma_wait3A_265] : memref<10240x8xf32, #tpu.memory_space<vmem_shared>> -> memref<125x8xf32, #tpu.memory_space<vmem_shared>>
        tpu.wait_dma2 semaphore(%arg23 : memref<!tpu.dma_semaphore, #tpu.memory_space<semaphore_mem>>) src(%arg24 : memref<125x8xf32, #tpu.memory_space<vmem>>) dst(%dma_wait3A_266 : memref<125x8xf32, #tpu.memory_space<vmem_shared>>)
      } else {
      }
      %dma_start3A_219 = arith.constant 0 : i32
      %dma_start3A_220 = arith.constant 0 : i32
      %dma_start3A_221 = tpu.memref_slice %arg14[%dma_start3A_219, %dma_start3A_220] : memref<2x125xi32, #tpu.memory_space<vmem>> -> memref<1x125xi32, #tpu.memory_space<vmem>>
      %dma_start3A_222 = tpu.memref_squeeze %dma_start3A_221 : memref<1x125xi32, #tpu.memory_space<vmem>> -> memref<125xi32, #tpu.memory_space<vmem>>
      %dma_start3A_223 = arith.constant 0 : i32
      %dma_start3A_224 = arith.constant 0 : i32
      %dma_start3A_225 = tpu.memref_slice %arg2[%dma_start3A_223, %dma_start3A_224] : memref<10000x128xf32, #tpu.memory_space<hbm>> -> memref<10000x128xf32, #tpu.memory_space<hbm>>
      tpu.enqueue_indirect_dma source(%dma_start3A_225 : memref<10000x128xf32, #tpu.memory_space<hbm>>) target(%arg10 : memref<125x128xf32, #tpu.memory_space<vmem>>) offsets(%dma_start3A_222 : memref<125xi32, #tpu.memory_space<vmem>>) semaphore(%arg21 : memref<!tpu.dma_semaphore, #tpu.memory_space<semaphore_mem>>)
      %add3A_226 = arith.constant 2 : i32
      %add3A_227 = arith.addi %add3A_204, %add3A_226 : i32
      %lt3A_228 = arith.constant 80 : i32
      %lt3A_229 = arith.cmpi slt, %add3A_227, %lt3A_228 : i32
      %convert_element_type3A_230 = arith.extui %lt3A_229 : i1 to i32
      %cond3A_231 = arith.constant 0 : i32
      %cond3A_232 = arith.cmpi ne, %convert_element_type3A_230, %cond3A_231 : i32
      scf.if %cond3A_232 {
        %add3A_255 = arith.constant 2 : i32
        %add3A_256 = arith.addi %add3A_204, %add3A_255 : i32
        %dma_start3A_257 = arith.constant 0 : i32
        %dma_start3A_258 = arith.constant 0 : i32
        %dma_start3A_259 = tpu.memref_slice %arg3[%add3A, %add3A_256, %dma_start3A_257, %dma_start3A_258] : memref<32x80x2x125xi32, #tpu.memory_space<hbm>> -> memref<1x1x2x125xi32, #tpu.memory_space<hbm>>
        %dma_start3A_260 = tpu.memref_squeeze %dma_start3A_259 : memref<1x1x2x125xi32, #tpu.memory_space<hbm>> -> memref<2x125xi32, #tpu.memory_space<hbm>>
        %dma_start3A_261 = arith.constant 0 : i32
        %dma_start3A_262 = arith.constant 0 : i32
        %dma_start3A_263 = tpu.memref_slice %arg3[%add3A, %add3A_256, %dma_start3A_261, %dma_start3A_262] : memref<32x80x2x125xi32, #tpu.memory_space<hbm>> -> memref<1x1x2x125xi32, #tpu.memory_space<hbm>>
        %dma_start3A_264 = tpu.memref_squeeze %dma_start3A_263 : memref<1x1x2x125xi32, #tpu.memory_space<hbm>> -> memref<2x125xi32, #tpu.memory_space<hbm>>
        tpu.enqueue_dma source(%dma_start3A_264 : memref<2x125xi32, #tpu.memory_space<hbm>>) target(%arg12 : memref<2x125xi32, #tpu.memory_space<vmem>>) target_semaphore(%arg17 : memref<!tpu.dma_semaphore, #tpu.memory_space<semaphore_mem>>)
      } else {
      }
      %dma_wait3A_233 = arith.constant 0 : i32
      %dma_wait3A_234 = arith.constant 0 : i32
      %dma_wait3A_235 = tpu.memref_slice %arg14[%dma_wait3A_233, %dma_wait3A_234] : memref<2x125xi32, #tpu.memory_space<vmem>> -> memref<1x125xi32, #tpu.memory_space<vmem>>
      %dma_wait3A_236 = tpu.memref_squeeze %dma_wait3A_235 : memref<1x125xi32, #tpu.memory_space<vmem>> -> memref<125xi32, #tpu.memory_space<vmem>>
      %dma_wait3A_237 = arith.constant 0 : i32
      %dma_wait3A_238 = arith.constant 0 : i32
      %dma_wait3A_239 = tpu.memref_slice %arg2[%dma_wait3A_237, %dma_wait3A_238] : memref<10000x128xf32, #tpu.memory_space<hbm>> -> memref<10000x128xf32, #tpu.memory_space<hbm>>
      tpu.wait_indirect_dma semaphore(%arg21 : memref<!tpu.dma_semaphore, #tpu.memory_space<semaphore_mem>>) src(%dma_wait3A_239 : memref<10000x128xf32, #tpu.memory_space<hbm>>) dst(%arg10 : memref<125x128xf32, #tpu.memory_space<vmem>>)
      %dma_start3A_240 = arith.constant 1 : i32
      %dma_start3A_241 = arith.constant 0 : i32
      %dma_start3A_242 = tpu.memref_slice %arg14[%dma_start3A_240, %dma_start3A_241] : memref<2x125xi32, #tpu.memory_space<vmem>> -> memref<1x125xi32, #tpu.memory_space<vmem>>
      %dma_start3A_243 = tpu.memref_squeeze %dma_start3A_242 : memref<1x125xi32, #tpu.memory_space<vmem>> -> memref<125xi32, #tpu.memory_space<vmem>>
      %dma_start3A_244 = arith.constant 0 : i32
      %dma_start3A_245 = arith.constant 0 : i32
      %dma_start3A_246 = tpu.memref_slice %arg15[%dma_start3A_244, %dma_start3A_245] : memref<10240x128xf32, #tpu.memory_space<vmem_shared>> -> memref<10240x128xf32, #tpu.memory_space<vmem_shared>>
      tpu.enqueue_indirect_dma source(%arg10 : memref<125x128xf32, #tpu.memory_space<vmem>>) target(%dma_start3A_246 : memref<10240x128xf32, #tpu.memory_space<vmem_shared>>) offsets(%dma_start3A_243 : memref<125xi32, #tpu.memory_space<vmem>>) semaphore(%arg23 : memref<!tpu.dma_semaphore, #tpu.memory_space<semaphore_mem>>) {add = true}
      %dma_start3A_247 = arith.constant 1 : i32
      %dma_start3A_248 = arith.constant 0 : i32
      %dma_start3A_249 = tpu.memref_slice %arg14[%dma_start3A_247, %dma_start3A_248] : memref<2x125xi32, #tpu.memory_space<vmem>> -> memref<1x125xi32, #tpu.memory_space<vmem>>
      %dma_start3A_250 = tpu.memref_squeeze %dma_start3A_249 : memref<1x125xi32, #tpu.memory_space<vmem>> -> memref<125xi32, #tpu.memory_space<vmem>>
      %dma_start3A_251 = arith.constant 0 : i32
      %dma_start3A_252 = arith.constant 0 : i32
      %dma_start3A_253 = tpu.memref_slice %arg25[%dma_start3A_251, %dma_start3A_252] : memref<10240x8xf32, #tpu.memory_space<vmem_shared>> -> memref<10240x8xf32, #tpu.memory_space<vmem_shared>>
      tpu.enqueue_indirect_dma source(%arg24 : memref<125x8xf32, #tpu.memory_space<vmem>>) target(%dma_start3A_253 : memref<10240x8xf32, #tpu.memory_space<vmem_shared>>) offsets(%dma_start3A_250 : memref<125xi32, #tpu.memory_space<vmem>>) semaphore(%arg23 : memref<!tpu.dma_semaphore, #tpu.memory_space<semaphore_mem>>) {add = true}
      %scan3A_254 = arith.constant 0 : i32
      scf.yield %scan3A_254 : i32
    }
    %scan3A_25 = arith.constant 20 : i32
    %dma_wait3A = arith.constant 0 : i32
    %dma_wait3A_26 = arith.constant 0 : i32
    %dma_wait3A_27 = tpu.memref_slice %arg15[%dma_wait3A, %dma_wait3A_26] : memref<10240x128xf32, #tpu.memory_space<vmem_shared>> -> memref<125x128xf32, #tpu.memory_space<vmem_shared>>
    %dma_wait3A_28 = arith.constant 0 : i32
    %dma_wait3A_29 = arith.constant 0 : i32
    %dma_wait3A_30 = tpu.memref_slice %arg15[%dma_wait3A_28, %dma_wait3A_29] : memref<10240x128xf32, #tpu.memory_space<vmem_shared>> -> memref<125x128xf32, #tpu.memory_space<vmem_shared>>
    tpu.wait_dma2 semaphore(%arg22 : memref<!tpu.dma_semaphore, #tpu.memory_space<semaphore_mem>>) src(%arg9 : memref<125x128xf32, #tpu.memory_space<vmem>>) dst(%dma_wait3A_30 : memref<125x128xf32, #tpu.memory_space<vmem_shared>>)
    %dma_wait3A_31 = arith.constant 0 : i32
    %dma_wait3A_32 = arith.constant 0 : i32
    %dma_wait3A_33 = tpu.memref_slice %arg25[%dma_wait3A_31, %dma_wait3A_32] : memref<10240x8xf32, #tpu.memory_space<vmem_shared>> -> memref<125x8xf32, #tpu.memory_space<vmem_shared>>
    %dma_wait3A_34 = arith.constant 0 : i32
    %dma_wait3A_35 = arith.constant 0 : i32
    %dma_wait3A_36 = tpu.memref_slice %arg25[%dma_wait3A_34, %dma_wait3A_35] : memref<10240x8xf32, #tpu.memory_space<vmem_shared>> -> memref<125x8xf32, #tpu.memory_space<vmem_shared>>
    tpu.wait_dma2 semaphore(%arg22 : memref<!tpu.dma_semaphore, #tpu.memory_space<semaphore_mem>>) src(%arg24 : memref<125x8xf32, #tpu.memory_space<vmem>>) dst(%dma_wait3A_36 : memref<125x8xf32, #tpu.memory_space<vmem_shared>>)
    %dma_wait3A_37 = arith.constant 0 : i32
    %dma_wait3A_38 = arith.constant 0 : i32
    %dma_wait3A_39 = tpu.memref_slice %arg15[%dma_wait3A_37, %dma_wait3A_38] : memref<10240x128xf32, #tpu.memory_space<vmem_shared>> -> memref<125x128xf32, #tpu.memory_space<vmem_shared>>
    %dma_wait3A_40 = arith.constant 0 : i32
    %dma_wait3A_41 = arith.constant 0 : i32
    %dma_wait3A_42 = tpu.memref_slice %arg15[%dma_wait3A_40, %dma_wait3A_41] : memref<10240x128xf32, #tpu.memory_space<vmem_shared>> -> memref<125x128xf32, #tpu.memory_space<vmem_shared>>
    tpu.wait_dma2 semaphore(%arg23 : memref<!tpu.dma_semaphore, #tpu.memory_space<semaphore_mem>>) src(%arg10 : memref<125x128xf32, #tpu.memory_space<vmem>>) dst(%dma_wait3A_42 : memref<125x128xf32, #tpu.memory_space<vmem_shared>>)
    %dma_wait3A_43 = arith.constant 0 : i32
    %dma_wait3A_44 = arith.constant 0 : i32
    %dma_wait3A_45 = tpu.memref_slice %arg25[%dma_wait3A_43, %dma_wait3A_44] : memref<10240x8xf32, #tpu.memory_space<vmem_shared>> -> memref<125x8xf32, #tpu.memory_space<vmem_shared>>
    %dma_wait3A_46 = arith.constant 0 : i32
    %dma_wait3A_47 = arith.constant 0 : i32
    %dma_wait3A_48 = tpu.memref_slice %arg25[%dma_wait3A_46, %dma_wait3A_47] : memref<10240x8xf32, #tpu.memory_space<vmem_shared>> -> memref<125x8xf32, #tpu.memory_space<vmem_shared>>
    tpu.wait_dma2 semaphore(%arg23 : memref<!tpu.dma_semaphore, #tpu.memory_space<semaphore_mem>>) src(%arg24 : memref<125x8xf32, #tpu.memory_space<vmem>>) dst(%dma_wait3A_48 : memref<125x8xf32, #tpu.memory_space<vmem_shared>>)
    %barrier3A_49 = arith.constant 0 : index
    tpu.barrier barrier_id(%barrier3A_49)
    "tpu.region"() ({
      %run_scoped3A = tpu.sem_alloc : memref<!tpu.dma_semaphore, #tpu.memory_space<semaphore_mem>>
      %dma_start3A_50 = arith.constant 0 : i32
      %dma_start3A_51 = tpu.memref_slice %arg7[%arg0, %mul3A_2, %dma_start3A_50] : memref<2x10240x128xf32, #tpu.memory_space<hbm>> -> memref<1x640x128xf32, #tpu.memory_space<hbm>>
      %dma_start3A_52 = tpu.memref_squeeze %dma_start3A_51 : memref<1x640x128xf32, #tpu.memory_space<hbm>> -> memref<640x128xf32, #tpu.memory_space<hbm>>
      %dma_start3A_53 = arith.constant 0 : i32
      %dma_start3A_54 = tpu.memref_slice %arg15[%mul3A_2, %dma_start3A_53] : memref<10240x128xf32, #tpu.memory_space<vmem_shared>> -> memref<640x128xf32, #tpu.memory_space<vmem_shared>>
      tpu.enqueue_dma source(%dma_start3A_54 : memref<640x128xf32, #tpu.memory_space<vmem_shared>>) target(%dma_start3A_52 : memref<640x128xf32, #tpu.memory_space<hbm>>) target_semaphore(%run_scoped3A : memref<!tpu.dma_semaphore, #tpu.memory_space<semaphore_mem>>)
      %dma_wait3A_55 = arith.constant 0 : i32
      %dma_wait3A_56 = tpu.memref_slice %arg7[%arg0, %mul3A_2, %dma_wait3A_55] : memref<2x10240x128xf32, #tpu.memory_space<hbm>> -> memref<1x640x128xf32, #tpu.memory_space<hbm>>
      %dma_wait3A_57 = tpu.memref_squeeze %dma_wait3A_56 : memref<1x640x128xf32, #tpu.memory_space<hbm>> -> memref<640x128xf32, #tpu.memory_space<hbm>>
      %dma_wait3A_58 = arith.constant 0 : i32
      %dma_wait3A_59 = tpu.memref_slice %arg15[%mul3A_2, %dma_wait3A_58] : memref<10240x128xf32, #tpu.memory_space<vmem_shared>> -> memref<640x128xf32, #tpu.memory_space<vmem_shared>>
      tpu.wait_dma2 semaphore(%run_scoped3A : memref<!tpu.dma_semaphore, #tpu.memory_space<semaphore_mem>>) src(%dma_wait3A_59 : memref<640x128xf32, #tpu.memory_space<vmem_shared>>) dst(%dma_wait3A_57 : memref<640x128xf32, #tpu.memory_space<hbm>>)
      tpu.yield
    }) : () -> ()
    "tpu.region"() ({
      %run_scoped3A = tpu.sem_alloc : memref<!tpu.dma_semaphore, #tpu.memory_space<semaphore_mem>>
      %dma_start3A_50 = arith.constant 0 : i32
      %dma_start3A_51 = tpu.memref_slice %arg8[%arg0, %mul3A_2, %dma_start3A_50] : memref<2x10240x8xf32, #tpu.memory_space<hbm>> -> memref<1x640x8xf32, #tpu.memory_space<hbm>>
      %dma_start3A_52 = tpu.memref_squeeze %dma_start3A_51 : memref<1x640x8xf32, #tpu.memory_space<hbm>> -> memref<640x8xf32, #tpu.memory_space<hbm>>
      %dma_start3A_53 = arith.constant 0 : i32
      %dma_start3A_54 = tpu.memref_slice %arg25[%mul3A_2, %dma_start3A_53] : memref<10240x8xf32, #tpu.memory_space<vmem_shared>> -> memref<640x8xf32, #tpu.memory_space<vmem_shared>>
      tpu.enqueue_dma source(%dma_start3A_54 : memref<640x8xf32, #tpu.memory_space<vmem_shared>>) target(%dma_start3A_52 : memref<640x8xf32, #tpu.memory_space<hbm>>) target_semaphore(%run_scoped3A : memref<!tpu.dma_semaphore, #tpu.memory_space<semaphore_mem>>)
      %dma_wait3A_55 = arith.constant 0 : i32
      %dma_wait3A_56 = tpu.memref_slice %arg8[%arg0, %mul3A_2, %dma_wait3A_55] : memref<2x10240x8xf32, #tpu.memory_space<hbm>> -> memref<1x640x8xf32, #tpu.memory_space<hbm>>
      %dma_wait3A_57 = tpu.memref_squeeze %dma_wait3A_56 : memref<1x640x8xf32, #tpu.memory_space<hbm>> -> memref<640x8xf32, #tpu.memory_space<hbm>>
      %dma_wait3A_58 = arith.constant 0 : i32
      %dma_wait3A_59 = tpu.memref_slice %arg25[%mul3A_2, %dma_wait3A_58] : memref<10240x8xf32, #tpu.memory_space<vmem_shared>> -> memref<640x8xf32, #tpu.memory_space<vmem_shared>>
      tpu.wait_dma2 semaphore(%run_scoped3A : memref<!tpu.dma_semaphore, #tpu.memory_space<semaphore_mem>>) src(%dma_wait3A_59 : memref<640x8xf32, #tpu.memory_space<vmem_shared>>) dst(%dma_wait3A_57 : memref<640x8xf32, #tpu.memory_space<hbm>>)
      tpu.yield
    }) : () -> ()
    return
  }
}

#map = affine_map<(d0, d1) -> (0, 0)>
#map1 = affine_map<(d0, d1) -> (0, 0, 0, 0)>
#map2 = affine_map<(d0, d1) -> (0, 0, 0)>
module attributes {stable_mosaic.version = 14 : i64} {
  func.func @body(%arg0: i32, %arg1: i32, %arg2: memref<10000x16xf32, #tpu.memory_space<hbm>>, %arg3: memref<32x80x2x125xi32, #tpu.memory_space<hbm>>, %arg4: memref<640x16xf32, #tpu.memory_space<hbm>>, %arg5: memref<2x10240x16xf32, #tpu.memory_space<hbm>>, %arg6: memref<125x16xf32, #tpu.memory_space<vmem>>, %arg7: memref<125x16xf32, #tpu.memory_space<vmem>>, %arg8: memref<2x125xi32, #tpu.memory_space<vmem>>, %arg9: memref<2x125xi32, #tpu.memory_space<vmem>>, %arg10: memref<2x125xi32, #tpu.memory_space<vmem>>, %arg11: memref<2x125xi32, #tpu.memory_space<vmem>>, %arg12: memref<10240x16xf32, #tpu.memory_space<vmem_shared>>, %arg13: memref<!tpu.dma_semaphore, #tpu.memory_space<semaphore_mem>>, %arg14: memref<!tpu.dma_semaphore, #tpu.memory_space<semaphore_mem>>, %arg15: memref<!tpu.dma_semaphore, #tpu.memory_space<semaphore_mem>>, %arg16: memref<!tpu.dma_semaphore, #tpu.memory_space<semaphore_mem>>, %arg17: memref<!tpu.dma_semaphore, #tpu.memory_space<semaphore_mem>>, %arg18: memref<!tpu.dma_semaphore, #tpu.memory_space<semaphore_mem>>, %arg19: memref<!tpu.dma_semaphore, #tpu.memory_space<semaphore_mem>>, %arg20: memref<!tpu.dma_semaphore, #tpu.memory_space<semaphore_mem>>) attributes {dimension_semantics = [#tpu.dimension_semantics<core_parallel>, #tpu.dimension_semantics<subcore_parallel>], iteration_bounds = array<i64: 2, 16>, scalar_prefetch = 0 : i64, scratch_operands = 15 : i64, tpu.core_type = #tpu.core_type<sc_vector_subcore>, window_params = [{transform_indices = #map}, {transform_indices = #map1}, {transform_indices = #map}, {transform_indices = #map2}]} {
    %mul3A = arith.constant 2 : i32
    %mul3A_0 = arith.muli %arg1, %mul3A : i32
    %add3A = arith.addi %mul3A_0, %arg0 : i32
    %mul3A_1 = arith.constant 640 : i32
    %mul3A_2 = arith.muli %arg1, %mul3A_1 : i32
    "tpu.region"() ({
      %run_scoped3A = tpu.sem_alloc : memref<!tpu.dma_semaphore, #tpu.memory_space<semaphore_mem>>
      %dma_start3A_38 = arith.constant 0 : i32
      %dma_start3A_39 = tpu.memref_slice %arg12[%mul3A_2, %dma_start3A_38] : memref<10240x16xf32, #tpu.memory_space<vmem_shared>> -> memref<640x16xf32, #tpu.memory_space<vmem_shared>>
      tpu.enqueue_dma source(%arg4 : memref<640x16xf32, #tpu.memory_space<hbm>>) target(%dma_start3A_39 : memref<640x16xf32, #tpu.memory_space<vmem_shared>>) target_semaphore(%run_scoped3A : memref<!tpu.dma_semaphore, #tpu.memory_space<semaphore_mem>>)
      %dma_wait3A_40 = arith.constant 0 : i32
      %dma_wait3A_41 = tpu.memref_slice %arg12[%mul3A_2, %dma_wait3A_40] : memref<10240x16xf32, #tpu.memory_space<vmem_shared>> -> memref<640x16xf32, #tpu.memory_space<vmem_shared>>
      tpu.wait_dma2 semaphore(%run_scoped3A : memref<!tpu.dma_semaphore, #tpu.memory_space<semaphore_mem>>) src(%arg4 : memref<640x16xf32, #tpu.memory_space<hbm>>) dst(%dma_wait3A_41 : memref<640x16xf32, #tpu.memory_space<vmem_shared>>)
      tpu.yield
    }) : () -> ()
    %barrier3A = arith.constant 0 : index
    tpu.barrier barrier_id(%barrier3A)
    %dma_start3A = arith.constant 0 : i32
    %dma_start3A_3 = arith.constant 0 : i32
    %dma_start3A_4 = arith.constant 0 : i32
    %dma_start3A_5 = tpu.memref_slice %arg3[%add3A, %dma_start3A, %dma_start3A_3, %dma_start3A_4] : memref<32x80x2x125xi32, #tpu.memory_space<hbm>> -> memref<1x1x2x125xi32, #tpu.memory_space<hbm>>
    %dma_start3A_6 = tpu.memref_squeeze %dma_start3A_5 : memref<1x1x2x125xi32, #tpu.memory_space<hbm>> -> memref<2x125xi32, #tpu.memory_space<hbm>>
    %dma_start3A_7 = arith.constant 0 : i32
    %dma_start3A_8 = arith.constant 0 : i32
    %dma_start3A_9 = tpu.memref_slice %arg3[%add3A, %dma_start3A, %dma_start3A_7, %dma_start3A_8] : memref<32x80x2x125xi32, #tpu.memory_space<hbm>> -> memref<1x1x2x125xi32, #tpu.memory_space<hbm>>
    %dma_start3A_10 = tpu.memref_squeeze %dma_start3A_9 : memref<1x1x2x125xi32, #tpu.memory_space<hbm>> -> memref<2x125xi32, #tpu.memory_space<hbm>>
    tpu.enqueue_dma source(%dma_start3A_10 : memref<2x125xi32, #tpu.memory_space<hbm>>) target(%arg8 : memref<2x125xi32, #tpu.memory_space<vmem>>) target_semaphore(%arg13 : memref<!tpu.dma_semaphore, #tpu.memory_space<semaphore_mem>>)
    %dma_start3A_11 = arith.constant 1 : i32
    %dma_start3A_12 = arith.constant 0 : i32
    %dma_start3A_13 = arith.constant 0 : i32
    %dma_start3A_14 = tpu.memref_slice %arg3[%add3A, %dma_start3A_11, %dma_start3A_12, %dma_start3A_13] : memref<32x80x2x125xi32, #tpu.memory_space<hbm>> -> memref<1x1x2x125xi32, #tpu.memory_space<hbm>>
    %dma_start3A_15 = tpu.memref_squeeze %dma_start3A_14 : memref<1x1x2x125xi32, #tpu.memory_space<hbm>> -> memref<2x125xi32, #tpu.memory_space<hbm>>
    %dma_start3A_16 = arith.constant 0 : i32
    %dma_start3A_17 = arith.constant 0 : i32
    %dma_start3A_18 = tpu.memref_slice %arg3[%add3A, %dma_start3A_11, %dma_start3A_16, %dma_start3A_17] : memref<32x80x2x125xi32, #tpu.memory_space<hbm>> -> memref<1x1x2x125xi32, #tpu.memory_space<hbm>>
    %dma_start3A_19 = tpu.memref_squeeze %dma_start3A_18 : memref<1x1x2x125xi32, #tpu.memory_space<hbm>> -> memref<2x125xi32, #tpu.memory_space<hbm>>
    tpu.enqueue_dma source(%dma_start3A_19 : memref<2x125xi32, #tpu.memory_space<hbm>>) target(%arg9 : memref<2x125xi32, #tpu.memory_space<vmem>>) target_semaphore(%arg14 : memref<!tpu.dma_semaphore, #tpu.memory_space<semaphore_mem>>)
    %scan3A = arith.constant 0 : i32
    %scan3A_20 = arith.constant 0 : i32
    %scan3A_21 = arith.constant 20 : i32
    %scan3A_22 = arith.addi %scan3A_20, %scan3A_21 : i32
    %scan3A_23 = arith.constant 1 : i32
    %scan3A_24 = scf.for %scan3A_38 = %scan3A_20 to %scan3A_22 step %scan3A_23 iter_args(%scan3A_39 = %scan3A) -> (i32)  : i32 {
      %mul3A_40 = arith.constant 4 : i32
      %mul3A_41 = arith.muli %scan3A_38, %mul3A_40 : i32
      %add3A_42 = arith.constant 0 : i32
      %add3A_43 = arith.addi %mul3A_41, %add3A_42 : i32
      %dma_wait3A_44 = arith.constant 0 : i32
      %dma_wait3A_45 = arith.constant 0 : i32
      %dma_wait3A_46 = arith.constant 0 : i32
      %dma_wait3A_47 = tpu.memref_slice %arg3[%add3A, %dma_wait3A_44, %dma_wait3A_45, %dma_wait3A_46] : memref<32x80x2x125xi32, #tpu.memory_space<hbm>> -> memref<1x1x2x125xi32, #tpu.memory_space<hbm>>
      %dma_wait3A_48 = tpu.memref_squeeze %dma_wait3A_47 : memref<1x1x2x125xi32, #tpu.memory_space<hbm>> -> memref<2x125xi32, #tpu.memory_space<hbm>>
      %dma_wait3A_49 = arith.constant 0 : i32
      %dma_wait3A_50 = arith.constant 0 : i32
      %dma_wait3A_51 = tpu.memref_slice %arg3[%add3A, %dma_wait3A_44, %dma_wait3A_49, %dma_wait3A_50] : memref<32x80x2x125xi32, #tpu.memory_space<hbm>> -> memref<1x1x2x125xi32, #tpu.memory_space<hbm>>
      %dma_wait3A_52 = tpu.memref_squeeze %dma_wait3A_51 : memref<1x1x2x125xi32, #tpu.memory_space<hbm>> -> memref<2x125xi32, #tpu.memory_space<hbm>>
      tpu.wait_dma2 semaphore(%arg13 : memref<!tpu.dma_semaphore, #tpu.memory_space<semaphore_mem>>) src(%dma_wait3A_52 : memref<2x125xi32, #tpu.memory_space<hbm>>) dst(%arg8 : memref<2x125xi32, #tpu.memory_space<vmem>>)
      %ge3A = arith.constant 2 : i32
      %ge3A_53 = arith.cmpi sge, %add3A_43, %ge3A : i32
      %convert_element_type3A = arith.extui %ge3A_53 : i1 to i32
      %cond3A = arith.constant 0 : i32
      %cond3A_54 = arith.cmpi ne, %convert_element_type3A, %cond3A : i32
      scf.if %cond3A_54 {
        %dma_wait3A_215 = arith.constant 0 : i32
        %dma_wait3A_216 = arith.constant 0 : i32
        %dma_wait3A_217 = tpu.memref_slice %arg12[%dma_wait3A_215, %dma_wait3A_216] : memref<10240x16xf32, #tpu.memory_space<vmem_shared>> -> memref<125x16xf32, #tpu.memory_space<vmem_shared>>
        %dma_wait3A_218 = arith.constant 0 : i32
        %dma_wait3A_219 = arith.constant 0 : i32
        %dma_wait3A_220 = tpu.memref_slice %arg12[%dma_wait3A_218, %dma_wait3A_219] : memref<10240x16xf32, #tpu.memory_space<vmem_shared>> -> memref<125x16xf32, #tpu.memory_space<vmem_shared>>
        tpu.wait_dma2 semaphore(%arg19 : memref<!tpu.dma_semaphore, #tpu.memory_space<semaphore_mem>>) src(%arg6 : memref<125x16xf32, #tpu.memory_space<vmem>>) dst(%dma_wait3A_220 : memref<125x16xf32, #tpu.memory_space<vmem_shared>>)
      } else {
      }
      %dma_start3A_55 = arith.constant 0 : i32
      %dma_start3A_56 = arith.constant 0 : i32
      %dma_start3A_57 = tpu.memref_slice %arg8[%dma_start3A_55, %dma_start3A_56] : memref<2x125xi32, #tpu.memory_space<vmem>> -> memref<1x125xi32, #tpu.memory_space<vmem>>
      %dma_start3A_58 = tpu.memref_squeeze %dma_start3A_57 : memref<1x125xi32, #tpu.memory_space<vmem>> -> memref<125xi32, #tpu.memory_space<vmem>>
      %dma_start3A_59 = arith.constant 0 : i32
      %dma_start3A_60 = arith.constant 0 : i32
      %dma_start3A_61 = tpu.memref_slice %arg2[%dma_start3A_59, %dma_start3A_60] : memref<10000x16xf32, #tpu.memory_space<hbm>> -> memref<10000x16xf32, #tpu.memory_space<hbm>>
      tpu.enqueue_indirect_dma source(%dma_start3A_61 : memref<10000x16xf32, #tpu.memory_space<hbm>>) target(%arg6 : memref<125x16xf32, #tpu.memory_space<vmem>>) offsets(%dma_start3A_58 : memref<125xi32, #tpu.memory_space<vmem>>) semaphore(%arg17 : memref<!tpu.dma_semaphore, #tpu.memory_space<semaphore_mem>>)
      %add3A_62 = arith.constant 2 : i32
      %add3A_63 = arith.addi %add3A_43, %add3A_62 : i32
      %lt3A = arith.constant 80 : i32
      %lt3A_64 = arith.cmpi slt, %add3A_63, %lt3A : i32
      %convert_element_type3A_65 = arith.extui %lt3A_64 : i1 to i32
      %cond3A_66 = arith.constant 0 : i32
      %cond3A_67 = arith.cmpi ne, %convert_element_type3A_65, %cond3A_66 : i32
      scf.if %cond3A_67 {
        %add3A_215 = arith.constant 2 : i32
        %add3A_216 = arith.addi %add3A_43, %add3A_215 : i32
        %dma_start3A_217 = arith.constant 0 : i32
        %dma_start3A_218 = arith.constant 0 : i32
        %dma_start3A_219 = tpu.memref_slice %arg3[%add3A, %add3A_216, %dma_start3A_217, %dma_start3A_218] : memref<32x80x2x125xi32, #tpu.memory_space<hbm>> -> memref<1x1x2x125xi32, #tpu.memory_space<hbm>>
        %dma_start3A_220 = tpu.memref_squeeze %dma_start3A_219 : memref<1x1x2x125xi32, #tpu.memory_space<hbm>> -> memref<2x125xi32, #tpu.memory_space<hbm>>
        %dma_start3A_221 = arith.constant 0 : i32
        %dma_start3A_222 = arith.constant 0 : i32
        %dma_start3A_223 = tpu.memref_slice %arg3[%add3A, %add3A_216, %dma_start3A_221, %dma_start3A_222] : memref<32x80x2x125xi32, #tpu.memory_space<hbm>> -> memref<1x1x2x125xi32, #tpu.memory_space<hbm>>
        %dma_start3A_224 = tpu.memref_squeeze %dma_start3A_223 : memref<1x1x2x125xi32, #tpu.memory_space<hbm>> -> memref<2x125xi32, #tpu.memory_space<hbm>>
        tpu.enqueue_dma source(%dma_start3A_224 : memref<2x125xi32, #tpu.memory_space<hbm>>) target(%arg10 : memref<2x125xi32, #tpu.memory_space<vmem>>) target_semaphore(%arg15 : memref<!tpu.dma_semaphore, #tpu.memory_space<semaphore_mem>>)
      } else {
      }
      %dma_wait3A_68 = arith.constant 0 : i32
      %dma_wait3A_69 = arith.constant 0 : i32
      %dma_wait3A_70 = tpu.memref_slice %arg8[%dma_wait3A_68, %dma_wait3A_69] : memref<2x125xi32, #tpu.memory_space<vmem>> -> memref<1x125xi32, #tpu.memory_space<vmem>>
      %dma_wait3A_71 = tpu.memref_squeeze %dma_wait3A_70 : memref<1x125xi32, #tpu.memory_space<vmem>> -> memref<125xi32, #tpu.memory_space<vmem>>
      %dma_wait3A_72 = arith.constant 0 : i32
      %dma_wait3A_73 = arith.constant 0 : i32
      %dma_wait3A_74 = tpu.memref_slice %arg2[%dma_wait3A_72, %dma_wait3A_73] : memref<10000x16xf32, #tpu.memory_space<hbm>> -> memref<10000x16xf32, #tpu.memory_space<hbm>>
      tpu.wait_indirect_dma semaphore(%arg17 : memref<!tpu.dma_semaphore, #tpu.memory_space<semaphore_mem>>) src(%dma_wait3A_74 : memref<10000x16xf32, #tpu.memory_space<hbm>>) dst(%arg6 : memref<125x16xf32, #tpu.memory_space<vmem>>)
      %dma_start3A_75 = arith.constant 1 : i32
      %dma_start3A_76 = arith.constant 0 : i32
      %dma_start3A_77 = tpu.memref_slice %arg8[%dma_start3A_75, %dma_start3A_76] : memref<2x125xi32, #tpu.memory_space<vmem>> -> memref<1x125xi32, #tpu.memory_space<vmem>>
      %dma_start3A_78 = tpu.memref_squeeze %dma_start3A_77 : memref<1x125xi32, #tpu.memory_space<vmem>> -> memref<125xi32, #tpu.memory_space<vmem>>
      %dma_start3A_79 = arith.constant 0 : i32
      %dma_start3A_80 = arith.constant 0 : i32
      %dma_start3A_81 = tpu.memref_slice %arg12[%dma_start3A_79, %dma_start3A_80] : memref<10240x16xf32, #tpu.memory_space<vmem_shared>> -> memref<10240x16xf32, #tpu.memory_space<vmem_shared>>
      tpu.enqueue_indirect_dma source(%arg6 : memref<125x16xf32, #tpu.memory_space<vmem>>) target(%dma_start3A_81 : memref<10240x16xf32, #tpu.memory_space<vmem_shared>>) offsets(%dma_start3A_78 : memref<125xi32, #tpu.memory_space<vmem>>) semaphore(%arg19 : memref<!tpu.dma_semaphore, #tpu.memory_space<semaphore_mem>>) {add = true}
      %add3A_82 = arith.constant 1 : i32
      %add3A_83 = arith.addi %mul3A_41, %add3A_82 : i32
      %dma_wait3A_84 = arith.constant 0 : i32
      %dma_wait3A_85 = arith.constant 0 : i32
      %dma_wait3A_86 = arith.constant 0 : i32
      %dma_wait3A_87 = tpu.memref_slice %arg3[%add3A, %dma_wait3A_84, %dma_wait3A_85, %dma_wait3A_86] : memref<32x80x2x125xi32, #tpu.memory_space<hbm>> -> memref<1x1x2x125xi32, #tpu.memory_space<hbm>>
      %dma_wait3A_88 = tpu.memref_squeeze %dma_wait3A_87 : memref<1x1x2x125xi32, #tpu.memory_space<hbm>> -> memref<2x125xi32, #tpu.memory_space<hbm>>
      %dma_wait3A_89 = arith.constant 0 : i32
      %dma_wait3A_90 = arith.constant 0 : i32
      %dma_wait3A_91 = tpu.memref_slice %arg3[%add3A, %dma_wait3A_84, %dma_wait3A_89, %dma_wait3A_90] : memref<32x80x2x125xi32, #tpu.memory_space<hbm>> -> memref<1x1x2x125xi32, #tpu.memory_space<hbm>>
      %dma_wait3A_92 = tpu.memref_squeeze %dma_wait3A_91 : memref<1x1x2x125xi32, #tpu.memory_space<hbm>> -> memref<2x125xi32, #tpu.memory_space<hbm>>
      tpu.wait_dma2 semaphore(%arg14 : memref<!tpu.dma_semaphore, #tpu.memory_space<semaphore_mem>>) src(%dma_wait3A_92 : memref<2x125xi32, #tpu.memory_space<hbm>>) dst(%arg9 : memref<2x125xi32, #tpu.memory_space<vmem>>)
      %ge3A_93 = arith.constant 2 : i32
      %ge3A_94 = arith.cmpi sge, %add3A_83, %ge3A_93 : i32
      %convert_element_type3A_95 = arith.extui %ge3A_94 : i1 to i32
      %cond3A_96 = arith.constant 0 : i32
      %cond3A_97 = arith.cmpi ne, %convert_element_type3A_95, %cond3A_96 : i32
      scf.if %cond3A_97 {
        %dma_wait3A_215 = arith.constant 0 : i32
        %dma_wait3A_216 = arith.constant 0 : i32
        %dma_wait3A_217 = tpu.memref_slice %arg12[%dma_wait3A_215, %dma_wait3A_216] : memref<10240x16xf32, #tpu.memory_space<vmem_shared>> -> memref<125x16xf32, #tpu.memory_space<vmem_shared>>
        %dma_wait3A_218 = arith.constant 0 : i32
        %dma_wait3A_219 = arith.constant 0 : i32
        %dma_wait3A_220 = tpu.memref_slice %arg12[%dma_wait3A_218, %dma_wait3A_219] : memref<10240x16xf32, #tpu.memory_space<vmem_shared>> -> memref<125x16xf32, #tpu.memory_space<vmem_shared>>
        tpu.wait_dma2 semaphore(%arg20 : memref<!tpu.dma_semaphore, #tpu.memory_space<semaphore_mem>>) src(%arg7 : memref<125x16xf32, #tpu.memory_space<vmem>>) dst(%dma_wait3A_220 : memref<125x16xf32, #tpu.memory_space<vmem_shared>>)
      } else {
      }
      %dma_start3A_98 = arith.constant 0 : i32
      %dma_start3A_99 = arith.constant 0 : i32
      %dma_start3A_100 = tpu.memref_slice %arg9[%dma_start3A_98, %dma_start3A_99] : memref<2x125xi32, #tpu.memory_space<vmem>> -> memref<1x125xi32, #tpu.memory_space<vmem>>
      %dma_start3A_101 = tpu.memref_squeeze %dma_start3A_100 : memref<1x125xi32, #tpu.memory_space<vmem>> -> memref<125xi32, #tpu.memory_space<vmem>>
      %dma_start3A_102 = arith.constant 0 : i32
      %dma_start3A_103 = arith.constant 0 : i32
      %dma_start3A_104 = tpu.memref_slice %arg2[%dma_start3A_102, %dma_start3A_103] : memref<10000x16xf32, #tpu.memory_space<hbm>> -> memref<10000x16xf32, #tpu.memory_space<hbm>>
      tpu.enqueue_indirect_dma source(%dma_start3A_104 : memref<10000x16xf32, #tpu.memory_space<hbm>>) target(%arg7 : memref<125x16xf32, #tpu.memory_space<vmem>>) offsets(%dma_start3A_101 : memref<125xi32, #tpu.memory_space<vmem>>) semaphore(%arg18 : memref<!tpu.dma_semaphore, #tpu.memory_space<semaphore_mem>>)
      %add3A_105 = arith.constant 2 : i32
      %add3A_106 = arith.addi %add3A_83, %add3A_105 : i32
      %lt3A_107 = arith.constant 80 : i32
      %lt3A_108 = arith.cmpi slt, %add3A_106, %lt3A_107 : i32
      %convert_element_type3A_109 = arith.extui %lt3A_108 : i1 to i32
      %cond3A_110 = arith.constant 0 : i32
      %cond3A_111 = arith.cmpi ne, %convert_element_type3A_109, %cond3A_110 : i32
      scf.if %cond3A_111 {
        %add3A_215 = arith.constant 2 : i32
        %add3A_216 = arith.addi %add3A_83, %add3A_215 : i32
        %dma_start3A_217 = arith.constant 0 : i32
        %dma_start3A_218 = arith.constant 0 : i32
        %dma_start3A_219 = tpu.memref_slice %arg3[%add3A, %add3A_216, %dma_start3A_217, %dma_start3A_218] : memref<32x80x2x125xi32, #tpu.memory_space<hbm>> -> memref<1x1x2x125xi32, #tpu.memory_space<hbm>>
        %dma_start3A_220 = tpu.memref_squeeze %dma_start3A_219 : memref<1x1x2x125xi32, #tpu.memory_space<hbm>> -> memref<2x125xi32, #tpu.memory_space<hbm>>
        %dma_start3A_221 = arith.constant 0 : i32
        %dma_start3A_222 = arith.constant 0 : i32
        %dma_start3A_223 = tpu.memref_slice %arg3[%add3A, %add3A_216, %dma_start3A_221, %dma_start3A_222] : memref<32x80x2x125xi32, #tpu.memory_space<hbm>> -> memref<1x1x2x125xi32, #tpu.memory_space<hbm>>
        %dma_start3A_224 = tpu.memref_squeeze %dma_start3A_223 : memref<1x1x2x125xi32, #tpu.memory_space<hbm>> -> memref<2x125xi32, #tpu.memory_space<hbm>>
        tpu.enqueue_dma source(%dma_start3A_224 : memref<2x125xi32, #tpu.memory_space<hbm>>) target(%arg11 : memref<2x125xi32, #tpu.memory_space<vmem>>) target_semaphore(%arg16 : memref<!tpu.dma_semaphore, #tpu.memory_space<semaphore_mem>>)
      } else {
      }
      %dma_wait3A_112 = arith.constant 0 : i32
      %dma_wait3A_113 = arith.constant 0 : i32
      %dma_wait3A_114 = tpu.memref_slice %arg9[%dma_wait3A_112, %dma_wait3A_113] : memref<2x125xi32, #tpu.memory_space<vmem>> -> memref<1x125xi32, #tpu.memory_space<vmem>>
      %dma_wait3A_115 = tpu.memref_squeeze %dma_wait3A_114 : memref<1x125xi32, #tpu.memory_space<vmem>> -> memref<125xi32, #tpu.memory_space<vmem>>
      %dma_wait3A_116 = arith.constant 0 : i32
      %dma_wait3A_117 = arith.constant 0 : i32
      %dma_wait3A_118 = tpu.memref_slice %arg2[%dma_wait3A_116, %dma_wait3A_117] : memref<10000x16xf32, #tpu.memory_space<hbm>> -> memref<10000x16xf32, #tpu.memory_space<hbm>>
      tpu.wait_indirect_dma semaphore(%arg18 : memref<!tpu.dma_semaphore, #tpu.memory_space<semaphore_mem>>) src(%dma_wait3A_118 : memref<10000x16xf32, #tpu.memory_space<hbm>>) dst(%arg7 : memref<125x16xf32, #tpu.memory_space<vmem>>)
      %dma_start3A_119 = arith.constant 1 : i32
      %dma_start3A_120 = arith.constant 0 : i32
      %dma_start3A_121 = tpu.memref_slice %arg9[%dma_start3A_119, %dma_start3A_120] : memref<2x125xi32, #tpu.memory_space<vmem>> -> memref<1x125xi32, #tpu.memory_space<vmem>>
      %dma_start3A_122 = tpu.memref_squeeze %dma_start3A_121 : memref<1x125xi32, #tpu.memory_space<vmem>> -> memref<125xi32, #tpu.memory_space<vmem>>
      %dma_start3A_123 = arith.constant 0 : i32
      %dma_start3A_124 = arith.constant 0 : i32
      %dma_start3A_125 = tpu.memref_slice %arg12[%dma_start3A_123, %dma_start3A_124] : memref<10240x16xf32, #tpu.memory_space<vmem_shared>> -> memref<10240x16xf32, #tpu.memory_space<vmem_shared>>
      tpu.enqueue_indirect_dma source(%arg7 : memref<125x16xf32, #tpu.memory_space<vmem>>) target(%dma_start3A_125 : memref<10240x16xf32, #tpu.memory_space<vmem_shared>>) offsets(%dma_start3A_122 : memref<125xi32, #tpu.memory_space<vmem>>) semaphore(%arg20 : memref<!tpu.dma_semaphore, #tpu.memory_space<semaphore_mem>>) {add = true}
      %add3A_126 = arith.constant 2 : i32
      %add3A_127 = arith.addi %mul3A_41, %add3A_126 : i32
      %dma_wait3A_128 = arith.constant 0 : i32
      %dma_wait3A_129 = arith.constant 0 : i32
      %dma_wait3A_130 = arith.constant 0 : i32
      %dma_wait3A_131 = tpu.memref_slice %arg3[%add3A, %dma_wait3A_128, %dma_wait3A_129, %dma_wait3A_130] : memref<32x80x2x125xi32, #tpu.memory_space<hbm>> -> memref<1x1x2x125xi32, #tpu.memory_space<hbm>>
      %dma_wait3A_132 = tpu.memref_squeeze %dma_wait3A_131 : memref<1x1x2x125xi32, #tpu.memory_space<hbm>> -> memref<2x125xi32, #tpu.memory_space<hbm>>
      %dma_wait3A_133 = arith.constant 0 : i32
      %dma_wait3A_134 = arith.constant 0 : i32
      %dma_wait3A_135 = tpu.memref_slice %arg3[%add3A, %dma_wait3A_128, %dma_wait3A_133, %dma_wait3A_134] : memref<32x80x2x125xi32, #tpu.memory_space<hbm>> -> memref<1x1x2x125xi32, #tpu.memory_space<hbm>>
      %dma_wait3A_136 = tpu.memref_squeeze %dma_wait3A_135 : memref<1x1x2x125xi32, #tpu.memory_space<hbm>> -> memref<2x125xi32, #tpu.memory_space<hbm>>
      tpu.wait_dma2 semaphore(%arg15 : memref<!tpu.dma_semaphore, #tpu.memory_space<semaphore_mem>>) src(%dma_wait3A_136 : memref<2x125xi32, #tpu.memory_space<hbm>>) dst(%arg10 : memref<2x125xi32, #tpu.memory_space<vmem>>)
      %ge3A_137 = arith.constant 2 : i32
      %ge3A_138 = arith.cmpi sge, %add3A_127, %ge3A_137 : i32
      %convert_element_type3A_139 = arith.extui %ge3A_138 : i1 to i32
      %cond3A_140 = arith.constant 0 : i32
      %cond3A_141 = arith.cmpi ne, %convert_element_type3A_139, %cond3A_140 : i32
      scf.if %cond3A_141 {
        %dma_wait3A_215 = arith.constant 0 : i32
        %dma_wait3A_216 = arith.constant 0 : i32
        %dma_wait3A_217 = tpu.memref_slice %arg12[%dma_wait3A_215, %dma_wait3A_216] : memref<10240x16xf32, #tpu.memory_space<vmem_shared>> -> memref<125x16xf32, #tpu.memory_space<vmem_shared>>
        %dma_wait3A_218 = arith.constant 0 : i32
        %dma_wait3A_219 = arith.constant 0 : i32
        %dma_wait3A_220 = tpu.memref_slice %arg12[%dma_wait3A_218, %dma_wait3A_219] : memref<10240x16xf32, #tpu.memory_space<vmem_shared>> -> memref<125x16xf32, #tpu.memory_space<vmem_shared>>
        tpu.wait_dma2 semaphore(%arg19 : memref<!tpu.dma_semaphore, #tpu.memory_space<semaphore_mem>>) src(%arg6 : memref<125x16xf32, #tpu.memory_space<vmem>>) dst(%dma_wait3A_220 : memref<125x16xf32, #tpu.memory_space<vmem_shared>>)
      } else {
      }
      %dma_start3A_142 = arith.constant 0 : i32
      %dma_start3A_143 = arith.constant 0 : i32
      %dma_start3A_144 = tpu.memref_slice %arg10[%dma_start3A_142, %dma_start3A_143] : memref<2x125xi32, #tpu.memory_space<vmem>> -> memref<1x125xi32, #tpu.memory_space<vmem>>
      %dma_start3A_145 = tpu.memref_squeeze %dma_start3A_144 : memref<1x125xi32, #tpu.memory_space<vmem>> -> memref<125xi32, #tpu.memory_space<vmem>>
      %dma_start3A_146 = arith.constant 0 : i32
      %dma_start3A_147 = arith.constant 0 : i32
      %dma_start3A_148 = tpu.memref_slice %arg2[%dma_start3A_146, %dma_start3A_147] : memref<10000x16xf32, #tpu.memory_space<hbm>> -> memref<10000x16xf32, #tpu.memory_space<hbm>>
      tpu.enqueue_indirect_dma source(%dma_start3A_148 : memref<10000x16xf32, #tpu.memory_space<hbm>>) target(%arg6 : memref<125x16xf32, #tpu.memory_space<vmem>>) offsets(%dma_start3A_145 : memref<125xi32, #tpu.memory_space<vmem>>) semaphore(%arg17 : memref<!tpu.dma_semaphore, #tpu.memory_space<semaphore_mem>>)
      %add3A_149 = arith.constant 2 : i32
      %add3A_150 = arith.addi %add3A_127, %add3A_149 : i32
      %lt3A_151 = arith.constant 80 : i32
      %lt3A_152 = arith.cmpi slt, %add3A_150, %lt3A_151 : i32
      %convert_element_type3A_153 = arith.extui %lt3A_152 : i1 to i32
      %cond3A_154 = arith.constant 0 : i32
      %cond3A_155 = arith.cmpi ne, %convert_element_type3A_153, %cond3A_154 : i32
      scf.if %cond3A_155 {
        %add3A_215 = arith.constant 2 : i32
        %add3A_216 = arith.addi %add3A_127, %add3A_215 : i32
        %dma_start3A_217 = arith.constant 0 : i32
        %dma_start3A_218 = arith.constant 0 : i32
        %dma_start3A_219 = tpu.memref_slice %arg3[%add3A, %add3A_216, %dma_start3A_217, %dma_start3A_218] : memref<32x80x2x125xi32, #tpu.memory_space<hbm>> -> memref<1x1x2x125xi32, #tpu.memory_space<hbm>>
        %dma_start3A_220 = tpu.memref_squeeze %dma_start3A_219 : memref<1x1x2x125xi32, #tpu.memory_space<hbm>> -> memref<2x125xi32, #tpu.memory_space<hbm>>
        %dma_start3A_221 = arith.constant 0 : i32
        %dma_start3A_222 = arith.constant 0 : i32
        %dma_start3A_223 = tpu.memref_slice %arg3[%add3A, %add3A_216, %dma_start3A_221, %dma_start3A_222] : memref<32x80x2x125xi32, #tpu.memory_space<hbm>> -> memref<1x1x2x125xi32, #tpu.memory_space<hbm>>
        %dma_start3A_224 = tpu.memref_squeeze %dma_start3A_223 : memref<1x1x2x125xi32, #tpu.memory_space<hbm>> -> memref<2x125xi32, #tpu.memory_space<hbm>>
        tpu.enqueue_dma source(%dma_start3A_224 : memref<2x125xi32, #tpu.memory_space<hbm>>) target(%arg8 : memref<2x125xi32, #tpu.memory_space<vmem>>) target_semaphore(%arg13 : memref<!tpu.dma_semaphore, #tpu.memory_space<semaphore_mem>>)
      } else {
      }
      %dma_wait3A_156 = arith.constant 0 : i32
      %dma_wait3A_157 = arith.constant 0 : i32
      %dma_wait3A_158 = tpu.memref_slice %arg10[%dma_wait3A_156, %dma_wait3A_157] : memref<2x125xi32, #tpu.memory_space<vmem>> -> memref<1x125xi32, #tpu.memory_space<vmem>>
      %dma_wait3A_159 = tpu.memref_squeeze %dma_wait3A_158 : memref<1x125xi32, #tpu.memory_space<vmem>> -> memref<125xi32, #tpu.memory_space<vmem>>
      %dma_wait3A_160 = arith.constant 0 : i32
      %dma_wait3A_161 = arith.constant 0 : i32
      %dma_wait3A_162 = tpu.memref_slice %arg2[%dma_wait3A_160, %dma_wait3A_161] : memref<10000x16xf32, #tpu.memory_space<hbm>> -> memref<10000x16xf32, #tpu.memory_space<hbm>>
      tpu.wait_indirect_dma semaphore(%arg17 : memref<!tpu.dma_semaphore, #tpu.memory_space<semaphore_mem>>) src(%dma_wait3A_162 : memref<10000x16xf32, #tpu.memory_space<hbm>>) dst(%arg6 : memref<125x16xf32, #tpu.memory_space<vmem>>)
      %dma_start3A_163 = arith.constant 1 : i32
      %dma_start3A_164 = arith.constant 0 : i32
      %dma_start3A_165 = tpu.memref_slice %arg10[%dma_start3A_163, %dma_start3A_164] : memref<2x125xi32, #tpu.memory_space<vmem>> -> memref<1x125xi32, #tpu.memory_space<vmem>>
      %dma_start3A_166 = tpu.memref_squeeze %dma_start3A_165 : memref<1x125xi32, #tpu.memory_space<vmem>> -> memref<125xi32, #tpu.memory_space<vmem>>
      %dma_start3A_167 = arith.constant 0 : i32
      %dma_start3A_168 = arith.constant 0 : i32
      %dma_start3A_169 = tpu.memref_slice %arg12[%dma_start3A_167, %dma_start3A_168] : memref<10240x16xf32, #tpu.memory_space<vmem_shared>> -> memref<10240x16xf32, #tpu.memory_space<vmem_shared>>
      tpu.enqueue_indirect_dma source(%arg6 : memref<125x16xf32, #tpu.memory_space<vmem>>) target(%dma_start3A_169 : memref<10240x16xf32, #tpu.memory_space<vmem_shared>>) offsets(%dma_start3A_166 : memref<125xi32, #tpu.memory_space<vmem>>) semaphore(%arg19 : memref<!tpu.dma_semaphore, #tpu.memory_space<semaphore_mem>>) {add = true}
      %add3A_170 = arith.constant 3 : i32
      %add3A_171 = arith.addi %mul3A_41, %add3A_170 : i32
      %dma_wait3A_172 = arith.constant 0 : i32
      %dma_wait3A_173 = arith.constant 0 : i32
      %dma_wait3A_174 = arith.constant 0 : i32
      %dma_wait3A_175 = tpu.memref_slice %arg3[%add3A, %dma_wait3A_172, %dma_wait3A_173, %dma_wait3A_174] : memref<32x80x2x125xi32, #tpu.memory_space<hbm>> -> memref<1x1x2x125xi32, #tpu.memory_space<hbm>>
      %dma_wait3A_176 = tpu.memref_squeeze %dma_wait3A_175 : memref<1x1x2x125xi32, #tpu.memory_space<hbm>> -> memref<2x125xi32, #tpu.memory_space<hbm>>
      %dma_wait3A_177 = arith.constant 0 : i32
      %dma_wait3A_178 = arith.constant 0 : i32
      %dma_wait3A_179 = tpu.memref_slice %arg3[%add3A, %dma_wait3A_172, %dma_wait3A_177, %dma_wait3A_178] : memref<32x80x2x125xi32, #tpu.memory_space<hbm>> -> memref<1x1x2x125xi32, #tpu.memory_space<hbm>>
      %dma_wait3A_180 = tpu.memref_squeeze %dma_wait3A_179 : memref<1x1x2x125xi32, #tpu.memory_space<hbm>> -> memref<2x125xi32, #tpu.memory_space<hbm>>
      tpu.wait_dma2 semaphore(%arg16 : memref<!tpu.dma_semaphore, #tpu.memory_space<semaphore_mem>>) src(%dma_wait3A_180 : memref<2x125xi32, #tpu.memory_space<hbm>>) dst(%arg11 : memref<2x125xi32, #tpu.memory_space<vmem>>)
      %ge3A_181 = arith.constant 2 : i32
      %ge3A_182 = arith.cmpi sge, %add3A_171, %ge3A_181 : i32
      %convert_element_type3A_183 = arith.extui %ge3A_182 : i1 to i32
      %cond3A_184 = arith.constant 0 : i32
      %cond3A_185 = arith.cmpi ne, %convert_element_type3A_183, %cond3A_184 : i32
      scf.if %cond3A_185 {
        %dma_wait3A_215 = arith.constant 0 : i32
        %dma_wait3A_216 = arith.constant 0 : i32
        %dma_wait3A_217 = tpu.memref_slice %arg12[%dma_wait3A_215, %dma_wait3A_216] : memref<10240x16xf32, #tpu.memory_space<vmem_shared>> -> memref<125x16xf32, #tpu.memory_space<vmem_shared>>
        %dma_wait3A_218 = arith.constant 0 : i32
        %dma_wait3A_219 = arith.constant 0 : i32
        %dma_wait3A_220 = tpu.memref_slice %arg12[%dma_wait3A_218, %dma_wait3A_219] : memref<10240x16xf32, #tpu.memory_space<vmem_shared>> -> memref<125x16xf32, #tpu.memory_space<vmem_shared>>
        tpu.wait_dma2 semaphore(%arg20 : memref<!tpu.dma_semaphore, #tpu.memory_space<semaphore_mem>>) src(%arg7 : memref<125x16xf32, #tpu.memory_space<vmem>>) dst(%dma_wait3A_220 : memref<125x16xf32, #tpu.memory_space<vmem_shared>>)
      } else {
      }
      %dma_start3A_186 = arith.constant 0 : i32
      %dma_start3A_187 = arith.constant 0 : i32
      %dma_start3A_188 = tpu.memref_slice %arg11[%dma_start3A_186, %dma_start3A_187] : memref<2x125xi32, #tpu.memory_space<vmem>> -> memref<1x125xi32, #tpu.memory_space<vmem>>
      %dma_start3A_189 = tpu.memref_squeeze %dma_start3A_188 : memref<1x125xi32, #tpu.memory_space<vmem>> -> memref<125xi32, #tpu.memory_space<vmem>>
      %dma_start3A_190 = arith.constant 0 : i32
      %dma_start3A_191 = arith.constant 0 : i32
      %dma_start3A_192 = tpu.memref_slice %arg2[%dma_start3A_190, %dma_start3A_191] : memref<10000x16xf32, #tpu.memory_space<hbm>> -> memref<10000x16xf32, #tpu.memory_space<hbm>>
      tpu.enqueue_indirect_dma source(%dma_start3A_192 : memref<10000x16xf32, #tpu.memory_space<hbm>>) target(%arg7 : memref<125x16xf32, #tpu.memory_space<vmem>>) offsets(%dma_start3A_189 : memref<125xi32, #tpu.memory_space<vmem>>) semaphore(%arg18 : memref<!tpu.dma_semaphore, #tpu.memory_space<semaphore_mem>>)
      %add3A_193 = arith.constant 2 : i32
      %add3A_194 = arith.addi %add3A_171, %add3A_193 : i32
      %lt3A_195 = arith.constant 80 : i32
      %lt3A_196 = arith.cmpi slt, %add3A_194, %lt3A_195 : i32
      %convert_element_type3A_197 = arith.extui %lt3A_196 : i1 to i32
      %cond3A_198 = arith.constant 0 : i32
      %cond3A_199 = arith.cmpi ne, %convert_element_type3A_197, %cond3A_198 : i32
      scf.if %cond3A_199 {
        %add3A_215 = arith.constant 2 : i32
        %add3A_216 = arith.addi %add3A_171, %add3A_215 : i32
        %dma_start3A_217 = arith.constant 0 : i32
        %dma_start3A_218 = arith.constant 0 : i32
        %dma_start3A_219 = tpu.memref_slice %arg3[%add3A, %add3A_216, %dma_start3A_217, %dma_start3A_218] : memref<32x80x2x125xi32, #tpu.memory_space<hbm>> -> memref<1x1x2x125xi32, #tpu.memory_space<hbm>>
        %dma_start3A_220 = tpu.memref_squeeze %dma_start3A_219 : memref<1x1x2x125xi32, #tpu.memory_space<hbm>> -> memref<2x125xi32, #tpu.memory_space<hbm>>
        %dma_start3A_221 = arith.constant 0 : i32
        %dma_start3A_222 = arith.constant 0 : i32
        %dma_start3A_223 = tpu.memref_slice %arg3[%add3A, %add3A_216, %dma_start3A_221, %dma_start3A_222] : memref<32x80x2x125xi32, #tpu.memory_space<hbm>> -> memref<1x1x2x125xi32, #tpu.memory_space<hbm>>
        %dma_start3A_224 = tpu.memref_squeeze %dma_start3A_223 : memref<1x1x2x125xi32, #tpu.memory_space<hbm>> -> memref<2x125xi32, #tpu.memory_space<hbm>>
        tpu.enqueue_dma source(%dma_start3A_224 : memref<2x125xi32, #tpu.memory_space<hbm>>) target(%arg9 : memref<2x125xi32, #tpu.memory_space<vmem>>) target_semaphore(%arg14 : memref<!tpu.dma_semaphore, #tpu.memory_space<semaphore_mem>>)
      } else {
      }
      %dma_wait3A_200 = arith.constant 0 : i32
      %dma_wait3A_201 = arith.constant 0 : i32
      %dma_wait3A_202 = tpu.memref_slice %arg11[%dma_wait3A_200, %dma_wait3A_201] : memref<2x125xi32, #tpu.memory_space<vmem>> -> memref<1x125xi32, #tpu.memory_space<vmem>>
      %dma_wait3A_203 = tpu.memref_squeeze %dma_wait3A_202 : memref<1x125xi32, #tpu.memory_space<vmem>> -> memref<125xi32, #tpu.memory_space<vmem>>
      %dma_wait3A_204 = arith.constant 0 : i32
      %dma_wait3A_205 = arith.constant 0 : i32
      %dma_wait3A_206 = tpu.memref_slice %arg2[%dma_wait3A_204, %dma_wait3A_205] : memref<10000x16xf32, #tpu.memory_space<hbm>> -> memref<10000x16xf32, #tpu.memory_space<hbm>>
      tpu.wait_indirect_dma semaphore(%arg18 : memref<!tpu.dma_semaphore, #tpu.memory_space<semaphore_mem>>) src(%dma_wait3A_206 : memref<10000x16xf32, #tpu.memory_space<hbm>>) dst(%arg7 : memref<125x16xf32, #tpu.memory_space<vmem>>)
      %dma_start3A_207 = arith.constant 1 : i32
      %dma_start3A_208 = arith.constant 0 : i32
      %dma_start3A_209 = tpu.memref_slice %arg11[%dma_start3A_207, %dma_start3A_208] : memref<2x125xi32, #tpu.memory_space<vmem>> -> memref<1x125xi32, #tpu.memory_space<vmem>>
      %dma_start3A_210 = tpu.memref_squeeze %dma_start3A_209 : memref<1x125xi32, #tpu.memory_space<vmem>> -> memref<125xi32, #tpu.memory_space<vmem>>
      %dma_start3A_211 = arith.constant 0 : i32
      %dma_start3A_212 = arith.constant 0 : i32
      %dma_start3A_213 = tpu.memref_slice %arg12[%dma_start3A_211, %dma_start3A_212] : memref<10240x16xf32, #tpu.memory_space<vmem_shared>> -> memref<10240x16xf32, #tpu.memory_space<vmem_shared>>
      tpu.enqueue_indirect_dma source(%arg7 : memref<125x16xf32, #tpu.memory_space<vmem>>) target(%dma_start3A_213 : memref<10240x16xf32, #tpu.memory_space<vmem_shared>>) offsets(%dma_start3A_210 : memref<125xi32, #tpu.memory_space<vmem>>) semaphore(%arg20 : memref<!tpu.dma_semaphore, #tpu.memory_space<semaphore_mem>>) {add = true}
      %scan3A_214 = arith.constant 0 : i32
      scf.yield %scan3A_214 : i32
    }
    %scan3A_25 = arith.constant 20 : i32
    %dma_wait3A = arith.constant 0 : i32
    %dma_wait3A_26 = arith.constant 0 : i32
    %dma_wait3A_27 = tpu.memref_slice %arg12[%dma_wait3A, %dma_wait3A_26] : memref<10240x16xf32, #tpu.memory_space<vmem_shared>> -> memref<125x16xf32, #tpu.memory_space<vmem_shared>>
    %dma_wait3A_28 = arith.constant 0 : i32
    %dma_wait3A_29 = arith.constant 0 : i32
    %dma_wait3A_30 = tpu.memref_slice %arg12[%dma_wait3A_28, %dma_wait3A_29] : memref<10240x16xf32, #tpu.memory_space<vmem_shared>> -> memref<125x16xf32, #tpu.memory_space<vmem_shared>>
    tpu.wait_dma2 semaphore(%arg19 : memref<!tpu.dma_semaphore, #tpu.memory_space<semaphore_mem>>) src(%arg6 : memref<125x16xf32, #tpu.memory_space<vmem>>) dst(%dma_wait3A_30 : memref<125x16xf32, #tpu.memory_space<vmem_shared>>)
    %dma_wait3A_31 = arith.constant 0 : i32
    %dma_wait3A_32 = arith.constant 0 : i32
    %dma_wait3A_33 = tpu.memref_slice %arg12[%dma_wait3A_31, %dma_wait3A_32] : memref<10240x16xf32, #tpu.memory_space<vmem_shared>> -> memref<125x16xf32, #tpu.memory_space<vmem_shared>>
    %dma_wait3A_34 = arith.constant 0 : i32
    %dma_wait3A_35 = arith.constant 0 : i32
    %dma_wait3A_36 = tpu.memref_slice %arg12[%dma_wait3A_34, %dma_wait3A_35] : memref<10240x16xf32, #tpu.memory_space<vmem_shared>> -> memref<125x16xf32, #tpu.memory_space<vmem_shared>>
    tpu.wait_dma2 semaphore(%arg20 : memref<!tpu.dma_semaphore, #tpu.memory_space<semaphore_mem>>) src(%arg7 : memref<125x16xf32, #tpu.memory_space<vmem>>) dst(%dma_wait3A_36 : memref<125x16xf32, #tpu.memory_space<vmem_shared>>)
    %barrier3A_37 = arith.constant 0 : index
    tpu.barrier barrier_id(%barrier3A_37)
    "tpu.region"() ({
      %run_scoped3A = tpu.sem_alloc : memref<!tpu.dma_semaphore, #tpu.memory_space<semaphore_mem>>
      %dma_start3A_38 = arith.constant 0 : i32
      %dma_start3A_39 = tpu.memref_slice %arg5[%arg0, %mul3A_2, %dma_start3A_38] : memref<2x10240x16xf32, #tpu.memory_space<hbm>> -> memref<1x640x16xf32, #tpu.memory_space<hbm>>
      %dma_start3A_40 = tpu.memref_squeeze %dma_start3A_39 : memref<1x640x16xf32, #tpu.memory_space<hbm>> -> memref<640x16xf32, #tpu.memory_space<hbm>>
      %dma_start3A_41 = arith.constant 0 : i32
      %dma_start3A_42 = tpu.memref_slice %arg12[%mul3A_2, %dma_start3A_41] : memref<10240x16xf32, #tpu.memory_space<vmem_shared>> -> memref<640x16xf32, #tpu.memory_space<vmem_shared>>
      tpu.enqueue_dma source(%dma_start3A_42 : memref<640x16xf32, #tpu.memory_space<vmem_shared>>) target(%dma_start3A_40 : memref<640x16xf32, #tpu.memory_space<hbm>>) target_semaphore(%run_scoped3A : memref<!tpu.dma_semaphore, #tpu.memory_space<semaphore_mem>>)
      %dma_wait3A_43 = arith.constant 0 : i32
      %dma_wait3A_44 = tpu.memref_slice %arg5[%arg0, %mul3A_2, %dma_wait3A_43] : memref<2x10240x16xf32, #tpu.memory_space<hbm>> -> memref<1x640x16xf32, #tpu.memory_space<hbm>>
      %dma_wait3A_45 = tpu.memref_squeeze %dma_wait3A_44 : memref<1x640x16xf32, #tpu.memory_space<hbm>> -> memref<640x16xf32, #tpu.memory_space<hbm>>
      %dma_wait3A_46 = arith.constant 0 : i32
      %dma_wait3A_47 = tpu.memref_slice %arg12[%mul3A_2, %dma_wait3A_46] : memref<10240x16xf32, #tpu.memory_space<vmem_shared>> -> memref<640x16xf32, #tpu.memory_space<vmem_shared>>
      tpu.wait_dma2 semaphore(%run_scoped3A : memref<!tpu.dma_semaphore, #tpu.memory_space<semaphore_mem>>) src(%dma_wait3A_47 : memref<640x16xf32, #tpu.memory_space<vmem_shared>>) dst(%dma_wait3A_45 : memref<640x16xf32, #tpu.memory_space<hbm>>)
      tpu.yield
    }) : () -> ()
    return
  }
}

module attributes {stable_mosaic.version = 14 : i64} {
  func.func @_tc1_body(%arg0: i32, %arg1: memref<2x1000x128xf32, #tpu.memory_space<vmem>>, %arg2: memref<2x1000x8xf32, #tpu.memory_space<vmem>>, %arg3: memref<1000x128xf32, #tpu.memory_space<vmem>>, %arg4: memref<128x128xf32, #tpu.memory_space<vmem>>, %arg5: memref<1x128xf32, #tpu.memory_space<vmem>>, %arg6: memref<128x128xf32, #tpu.memory_space<vmem>>, %arg7: memref<128x16xf32, #tpu.memory_space<vmem>>, %arg8: memref<128x16xf32, #tpu.memory_space<vmem>>, %arg9: memref<1000x16xf32, #tpu.memory_space<vmem>>, %arg10: memref<1000x16xf32, #tpu.memory_space<vmem>>) attributes {dimension_semantics = [#tpu.dimension_semantics<arbitrary>], iteration_bounds = array<i64: 10>, scalar_prefetch = 0 : i64, scratch_operands = 0 : i64, tpu.core_type = #tpu.core_type<tc>, window_params = [{transform_indices = @transform_0, window_bounds = array<i64: 2, 1000, 128>}, {transform_indices = @transform_1, window_bounds = array<i64: 2, 1000, 8>}, {transform_indices = @transform_2, window_bounds = array<i64: 1000, 128>}, {pipeline_mode = #tpu.pipeline_mode<synchronous>, transform_indices = @transform_3, window_bounds = array<i64: 128, 128>}, {pipeline_mode = #tpu.pipeline_mode<synchronous>, transform_indices = @transform_4, window_bounds = array<i64: 1, 128>}, {pipeline_mode = #tpu.pipeline_mode<synchronous>, transform_indices = @transform_5, window_bounds = array<i64: 128, 128>}, {pipeline_mode = #tpu.pipeline_mode<synchronous>, transform_indices = @transform_6, window_bounds = array<i64: 128, 16>}, {pipeline_mode = #tpu.pipeline_mode<synchronous>, transform_indices = @transform_7, window_bounds = array<i64: 128, 16>}, {transform_indices = @transform_8, window_bounds = array<i64: 1000, 16>}, {transform_indices = @transform_9, window_bounds = array<i64: 1000, 16>}]} {
    %get3A = arith.constant 0 : index
    %get3A_0 = arith.constant 0 : index
    %get3A_1 = arith.constant 0 : index
    %get3A_2 = vector.load %arg2[%get3A, %get3A_0, %get3A_1] : memref<2x1000x8xf32, #tpu.memory_space<vmem>>, vector<1x1000x8xf32>
    %get3A_3 = vector.shape_cast %get3A_2 : vector<1x1000x8xf32> to vector<1000x8xf32>
    %slice3A = vector.extract_strided_slice %get3A_3 {offsets = [0, 0], sizes = [1000, 1], strides = [1, 1]} : vector<1000x8xf32> to vector<1000x1xf32>
    %get3A_4 = arith.constant 1 : index
    %get3A_5 = arith.constant 0 : index
    %get3A_6 = arith.constant 0 : index
    %get3A_7 = vector.load %arg2[%get3A_4, %get3A_5, %get3A_6] : memref<2x1000x8xf32, #tpu.memory_space<vmem>>, vector<1x1000x8xf32>
    %get3A_8 = vector.shape_cast %get3A_7 : vector<1x1000x8xf32> to vector<1000x8xf32>
    %slice3A_9 = vector.extract_strided_slice %get3A_8 {offsets = [0, 0], sizes = [1000, 1], strides = [1, 1]} : vector<1000x8xf32> to vector<1000x1xf32>
    %add3A = arith.addf %slice3A, %slice3A_9 : vector<1000x1xf32>
    %max3A = arith.constant 1.000000e+00 : f32
    %max3A_10 = vector.broadcast %max3A : f32 to vector<1000x1xf32>
    %max3A_11 = arith.maximumf %add3A, %max3A_10 : vector<1000x1xf32>
    %get3A_12 = arith.constant 0 : index
    %get3A_13 = arith.constant 0 : index
    %get3A_14 = arith.constant 0 : index
    %get3A_15 = vector.load %arg1[%get3A_12, %get3A_13, %get3A_14] : memref<2x1000x128xf32, #tpu.memory_space<vmem>>, vector<1x1000x128xf32>
    %get3A_16 = vector.shape_cast %get3A_15 : vector<1x1000x128xf32> to vector<1000x128xf32>
    %get3A_17 = arith.constant 1 : index
    %get3A_18 = arith.constant 0 : index
    %get3A_19 = arith.constant 0 : index
    %get3A_20 = vector.load %arg1[%get3A_17, %get3A_18, %get3A_19] : memref<2x1000x128xf32, #tpu.memory_space<vmem>>, vector<1x1000x128xf32>
    %get3A_21 = vector.shape_cast %get3A_20 : vector<1x1000x128xf32> to vector<1000x128xf32>
    %add3A_22 = arith.addf %get3A_16, %get3A_21 : vector<1000x128xf32>
    %div3A = vector.broadcast %max3A_11 : vector<1000x1xf32> to vector<1000x128xf32>
    %div3A_23 = arith.divf %add3A_22, %div3A : vector<1000x128xf32>
    %get3A_24 = arith.constant 0 : index
    %get3A_25 = arith.constant 0 : index
    %get3A_26 = vector.load %arg4[%get3A_24, %get3A_25] : memref<128x128xf32, #tpu.memory_space<vmem>>, vector<128x128xf32>
    %dot_general3A = arith.constant dense<0.000000e+00> : vector<1000x128xf32>
    %dot_general3A_27 = tpu.matmul %div3A_23, %get3A_26, %dot_general3A {dimension_numbers = #tpu.dot_dimension_numbers<[1], [0], [0], [1], [0, 0, 1, 1], [], []>, transpose_lhs_hint = false} : vector<1000x128xf32>, vector<128x128xf32>, vector<1000x128xf32> -> vector<1000x128xf32>
    %get3A_28 = arith.constant 0 : index
    %get3A_29 = arith.constant 0 : index
    %get3A_30 = vector.load %arg5[%get3A_28, %get3A_29] : memref<1x128xf32, #tpu.memory_space<vmem>>, vector<1x128xf32>
    %add3A_31 = vector.broadcast %get3A_30 : vector<1x128xf32> to vector<1000x128xf32>
    %add3A_32 = arith.addf %dot_general3A_27, %add3A_31 : vector<1000x128xf32>
    %get3A_33 = arith.constant 0 : index
    %get3A_34 = arith.constant 0 : index
    %get3A_35 = vector.load %arg3[%get3A_33, %get3A_34] : memref<1000x128xf32, #tpu.memory_space<vmem>>, vector<1000x128xf32>
    %get3A_36 = arith.constant 0 : index
    %get3A_37 = arith.constant 0 : index
    %get3A_38 = vector.load %arg6[%get3A_36, %get3A_37] : memref<128x128xf32, #tpu.memory_space<vmem>>, vector<128x128xf32>
    %dot_general3A_39 = arith.constant dense<0.000000e+00> : vector<1000x128xf32>
    %dot_general3A_40 = tpu.matmul %get3A_35, %get3A_38, %dot_general3A_39 {dimension_numbers = #tpu.dot_dimension_numbers<[1], [0], [0], [1], [0, 0, 1, 1], [], []>, transpose_lhs_hint = false} : vector<1000x128xf32>, vector<128x128xf32>, vector<1000x128xf32> -> vector<1000x128xf32>
    %add3A_41 = arith.addf %add3A_32, %dot_general3A_40 : vector<1000x128xf32>
    %max3A_42 = arith.constant 0.000000e+00 : f32
    %max3A_43 = vector.broadcast %max3A_42 : f32 to vector<1000x128xf32>
    %max3A_44 = arith.maximumf %add3A_41, %max3A_43 : vector<1000x128xf32>
    %get3A_45 = arith.constant 0 : index
    %get3A_46 = arith.constant 0 : index
    %get3A_47 = vector.load %arg7[%get3A_45, %get3A_46] : memref<128x16xf32, #tpu.memory_space<vmem>>, vector<128x16xf32>
    %dot_general3A_48 = arith.constant dense<0.000000e+00> : vector<1000x16xf32>
    %dot_general3A_49 = tpu.matmul %max3A_44, %get3A_47, %dot_general3A_48 {dimension_numbers = #tpu.dot_dimension_numbers<[1], [0], [0], [1], [0, 0, 1, 1], [], []>, transpose_lhs_hint = false} : vector<1000x128xf32>, vector<128x16xf32>, vector<1000x16xf32> -> vector<1000x16xf32>
    %swap3A = arith.constant 0 : index
    %swap3A_50 = arith.constant 0 : index
    %swap3A_51 = vector.load %arg9[%swap3A, %swap3A_50] : memref<1000x16xf32, #tpu.memory_space<vmem>>, vector<1000x16xf32>
    tpu.vector_store %arg9[%swap3A, %swap3A_50], %dot_general3A_49 {strides = array<i32>} : memref<1000x16xf32, #tpu.memory_space<vmem>>, vector<1000x16xf32>,
    %get3A_52 = arith.constant 0 : index
    %get3A_53 = arith.constant 0 : index
    %get3A_54 = vector.load %arg8[%get3A_52, %get3A_53] : memref<128x16xf32, #tpu.memory_space<vmem>>, vector<128x16xf32>
    %dot_general3A_55 = arith.constant dense<0.000000e+00> : vector<1000x16xf32>
    %dot_general3A_56 = tpu.matmul %max3A_44, %get3A_54, %dot_general3A_55 {dimension_numbers = #tpu.dot_dimension_numbers<[1], [0], [0], [1], [0, 0, 1, 1], [], []>, transpose_lhs_hint = false} : vector<1000x128xf32>, vector<128x16xf32>, vector<1000x16xf32> -> vector<1000x16xf32>
    %swap3A_57 = arith.constant 0 : index
    %swap3A_58 = arith.constant 0 : index
    %swap3A_59 = vector.load %arg10[%swap3A_57, %swap3A_58] : memref<1000x16xf32, #tpu.memory_space<vmem>>, vector<1000x16xf32>
    tpu.vector_store %arg10[%swap3A_57, %swap3A_58], %dot_general3A_56 {strides = array<i32>} : memref<1000x16xf32, #tpu.memory_space<vmem>>, vector<1000x16xf32>,
    return
  }
  func.func @transform_0(%arg0: i32) -> (i32, i32, i32) {
    %c0_i32 = arith.constant 0 : i32
    %c0_i32_0 = arith.constant 0 : i32
    %c0_i32_1 = arith.constant 0 : i32
    return %c0_i32, %arg0, %c0_i32_0 : i32, i32, i32
  }
  func.func @transform_1(%arg0: i32) -> (i32, i32, i32) {
    %c0_i32 = arith.constant 0 : i32
    %c0_i32_0 = arith.constant 0 : i32
    %c0_i32_1 = arith.constant 0 : i32
    return %c0_i32, %arg0, %c0_i32_0 : i32, i32, i32
  }
  func.func @transform_2(%arg0: i32) -> (i32, i32) {
    %c0_i32 = arith.constant 0 : i32
    %c0_i32_0 = arith.constant 0 : i32
    return %arg0, %c0_i32 : i32, i32
  }
  func.func @transform_3(%arg0: i32) -> (i32, i32) {
    %c0_i32 = arith.constant 0 : i32
    %c0_i32_0 = arith.constant 0 : i32
    %c0_i32_1 = arith.constant 0 : i32
    return %c0_i32, %c0_i32_0 : i32, i32
  }
  func.func @transform_4(%arg0: i32) -> (i32, i32) {
    %c0_i32 = arith.constant 0 : i32
    %c0_i32_0 = arith.constant 0 : i32
    %c0_i32_1 = arith.constant 0 : i32
    return %c0_i32, %c0_i32_0 : i32, i32
  }
  func.func @transform_5(%arg0: i32) -> (i32, i32) {
    %c0_i32 = arith.constant 0 : i32
    %c0_i32_0 = arith.constant 0 : i32
    %c0_i32_1 = arith.constant 0 : i32
    return %c0_i32, %c0_i32_0 : i32, i32
  }
  func.func @transform_6(%arg0: i32) -> (i32, i32) {
    %c0_i32 = arith.constant 0 : i32
    %c0_i32_0 = arith.constant 0 : i32
    %c0_i32_1 = arith.constant 0 : i32
    return %c0_i32, %c0_i32_0 : i32, i32
  }
  func.func @transform_7(%arg0: i32) -> (i32, i32) {
    %c0_i32 = arith.constant 0 : i32
    %c0_i32_0 = arith.constant 0 : i32
    %c0_i32_1 = arith.constant 0 : i32
    return %c0_i32, %c0_i32_0 : i32, i32
  }
  func.func @transform_8(%arg0: i32) -> (i32, i32) {
    %c0_i32 = arith.constant 0 : i32
    %c0_i32_0 = arith.constant 0 : i32
    return %arg0, %c0_i32 : i32, i32
  }
  func.func @transform_9(%arg0: i32) -> (i32, i32) {
    %c0_i32 = arith.constant 0 : i32
    %c0_i32_0 = arith.constant 0 : i32
    return %arg0, %c0_i32 : i32, i32
  }
}

module attributes {stable_mosaic.version = 14 : i64} {
  func.func @_tc2_body(%arg0: i32, %arg1: memref<2x1000x16xf32, #tpu.memory_space<vmem>>, %arg2: memref<2x1000x8xf32, #tpu.memory_space<vmem>>, %arg3: memref<1000x16xf32, #tpu.memory_space<vmem>>, %arg4: memref<1x16xf32, #tpu.memory_space<vmem>>, %arg5: memref<1000x16xf32, #tpu.memory_space<vmem>>) attributes {dimension_semantics = [#tpu.dimension_semantics<arbitrary>], iteration_bounds = array<i64: 10>, scalar_prefetch = 0 : i64, scratch_operands = 0 : i64, tpu.core_type = #tpu.core_type<tc>, window_params = [{transform_indices = @transform_0, window_bounds = array<i64: 2, 1000, 16>}, {transform_indices = @transform_1, window_bounds = array<i64: 2, 1000, 8>}, {transform_indices = @transform_2, window_bounds = array<i64: 1000, 16>}, {pipeline_mode = #tpu.pipeline_mode<synchronous>, transform_indices = @transform_3, window_bounds = array<i64: 1, 16>}, {transform_indices = @transform_4, window_bounds = array<i64: 1000, 16>}]} {
    %get3A = arith.constant 0 : index
    %get3A_0 = arith.constant 0 : index
    %get3A_1 = arith.constant 0 : index
    %get3A_2 = vector.load %arg2[%get3A, %get3A_0, %get3A_1] : memref<2x1000x8xf32, #tpu.memory_space<vmem>>, vector<1x1000x8xf32>
    %get3A_3 = vector.shape_cast %get3A_2 : vector<1x1000x8xf32> to vector<1000x8xf32>
    %slice3A = vector.extract_strided_slice %get3A_3 {offsets = [0, 0], sizes = [1000, 1], strides = [1, 1]} : vector<1000x8xf32> to vector<1000x1xf32>
    %get3A_4 = arith.constant 1 : index
    %get3A_5 = arith.constant 0 : index
    %get3A_6 = arith.constant 0 : index
    %get3A_7 = vector.load %arg2[%get3A_4, %get3A_5, %get3A_6] : memref<2x1000x8xf32, #tpu.memory_space<vmem>>, vector<1x1000x8xf32>
    %get3A_8 = vector.shape_cast %get3A_7 : vector<1x1000x8xf32> to vector<1000x8xf32>
    %slice3A_9 = vector.extract_strided_slice %get3A_8 {offsets = [0, 0], sizes = [1000, 1], strides = [1, 1]} : vector<1000x8xf32> to vector<1000x1xf32>
    %add3A = arith.addf %slice3A, %slice3A_9 : vector<1000x1xf32>
    %max3A = arith.constant 1.000000e+00 : f32
    %max3A_10 = vector.broadcast %max3A : f32 to vector<1000x1xf32>
    %max3A_11 = arith.maximumf %add3A, %max3A_10 : vector<1000x1xf32>
    %get3A_12 = arith.constant 0 : index
    %get3A_13 = arith.constant 0 : index
    %get3A_14 = arith.constant 0 : index
    %get3A_15 = vector.load %arg1[%get3A_12, %get3A_13, %get3A_14] : memref<2x1000x16xf32, #tpu.memory_space<vmem>>, vector<1x1000x16xf32>
    %get3A_16 = vector.shape_cast %get3A_15 : vector<1x1000x16xf32> to vector<1000x16xf32>
    %get3A_17 = arith.constant 1 : index
    %get3A_18 = arith.constant 0 : index
    %get3A_19 = arith.constant 0 : index
    %get3A_20 = vector.load %arg1[%get3A_17, %get3A_18, %get3A_19] : memref<2x1000x16xf32, #tpu.memory_space<vmem>>, vector<1x1000x16xf32>
    %get3A_21 = vector.shape_cast %get3A_20 : vector<1x1000x16xf32> to vector<1000x16xf32>
    %add3A_22 = arith.addf %get3A_16, %get3A_21 : vector<1000x16xf32>
    %div3A = vector.broadcast %max3A_11 : vector<1000x1xf32> to vector<1000x16xf32>
    %div3A_23 = arith.divf %add3A_22, %div3A : vector<1000x16xf32>
    %get3A_24 = arith.constant 0 : index
    %get3A_25 = arith.constant 0 : index
    %get3A_26 = vector.load %arg3[%get3A_24, %get3A_25] : memref<1000x16xf32, #tpu.memory_space<vmem>>, vector<1000x16xf32>
    %add3A_27 = arith.addf %div3A_23, %get3A_26 : vector<1000x16xf32>
    %get3A_28 = arith.constant 0 : index
    %get3A_29 = arith.constant 0 : index
    %get3A_30 = vector.load %arg4[%get3A_28, %get3A_29] : memref<1x16xf32, #tpu.memory_space<vmem>>, vector<1x16xf32>
    %add3A_31 = vector.broadcast %get3A_30 : vector<1x16xf32> to vector<1000x16xf32>
    %add3A_32 = arith.addf %add3A_27, %add3A_31 : vector<1000x16xf32>
    %iota3A = tpu.iota {dimensions = array<i32: 1>} : vector<1000x16xi32>
    %lt3A = arith.constant 2 : i32
    %lt3A_33 = vector.broadcast %lt3A : i32 to vector<1000x16xi32>
    %lt3A_34 = arith.cmpi slt, %iota3A, %lt3A_33 : vector<1000x16xi32>
    %jit3A = arith.constant 0xFF800000 : f32
    %broadcast_in_dim3A = vector.broadcast %jit3A : f32 to vector<1000x16xf32>
    %select_n3A = arith.select %lt3A_34, %add3A_32, %broadcast_in_dim3A : vector<1000x16xi1>, vector<1000x16xf32>
    %reduce_max3A = arith.constant dense<0xFF800000> : vector<1000xf32>
    %reduce_max3A_35 = vector.multi_reduction <maximumf>, %select_n3A, %reduce_max3A [1] : vector<1000x16xf32> to vector<1000xf32>
    %broadcast_in_dim3A_36 = vector.shape_cast %reduce_max3A_35 : vector<1000xf32> to vector<1000x1xf32>
    %sub3A = vector.broadcast %broadcast_in_dim3A_36 : vector<1000x1xf32> to vector<1000x16xf32>
    %sub3A_37 = arith.subf %add3A_32, %sub3A : vector<1000x16xf32>
    %exp3A = math.exp %sub3A_37 : vector<1000x16xf32>
    %jit3A_38 = arith.constant 0.000000e+00 : f32
    %broadcast_in_dim3A_39 = vector.broadcast %jit3A_38 : f32 to vector<1000x16xf32>
    %select_n3A_40 = arith.select %lt3A_34, %exp3A, %broadcast_in_dim3A_39 : vector<1000x16xi1>, vector<1000x16xf32>
    %reduce_sum3A = arith.constant dense<0.000000e+00> : vector<1000xf32>
    %reduce_sum3A_41 = vector.multi_reduction <add>, %select_n3A_40, %reduce_sum3A [1] : vector<1000x16xf32> to vector<1000xf32>
    %broadcast_in_dim3A_42 = vector.shape_cast %reduce_sum3A_41 : vector<1000xf32> to vector<1000x1xf32>
    %sub3A_43 = vector.broadcast %broadcast_in_dim3A_36 : vector<1000x1xf32> to vector<1000x16xf32>
    %sub3A_44 = arith.subf %add3A_32, %sub3A_43 : vector<1000x16xf32>
    %log3A = math.log %broadcast_in_dim3A_42 : vector<1000x1xf32>
    %sub3A_45 = vector.broadcast %log3A : vector<1000x1xf32> to vector<1000x16xf32>
    %sub3A_46 = arith.subf %sub3A_44, %sub3A_45 : vector<1000x16xf32>
    %swap3A = arith.constant 0 : index
    %swap3A_47 = arith.constant 0 : index
    %swap3A_48 = vector.load %arg5[%swap3A, %swap3A_47] : memref<1000x16xf32, #tpu.memory_space<vmem>>, vector<1000x16xf32>
    tpu.vector_store %arg5[%swap3A, %swap3A_47], %sub3A_46 {strides = array<i32>} : memref<1000x16xf32, #tpu.memory_space<vmem>>, vector<1000x16xf32>,
    return
  }
  func.func @transform_0(%arg0: i32) -> (i32, i32, i32) {
    %c0_i32 = arith.constant 0 : i32
    %c0_i32_0 = arith.constant 0 : i32
    %c0_i32_1 = arith.constant 0 : i32
    return %c0_i32, %arg0, %c0_i32_0 : i32, i32, i32
  }
  func.func @transform_1(%arg0: i32) -> (i32, i32, i32) {
    %c0_i32 = arith.constant 0 : i32
    %c0_i32_0 = arith.constant 0 : i32
    %c0_i32_1 = arith.constant 0 : i32
    return %c0_i32, %arg0, %c0_i32_0 : i32, i32, i32
  }
  func.func @transform_2(%arg0: i32) -> (i32, i32) {
    %c0_i32 = arith.constant 0 : i32
    %c0_i32_0 = arith.constant 0 : i32
    return %arg0, %c0_i32 : i32, i32
  }
  func.func @transform_3(%arg0: i32) -> (i32, i32) {
    %c0_i32 = arith.constant 0 : i32
    %c0_i32_0 = arith.constant 0 : i32
    %c0_i32_1 = arith.constant 0 : i32
    return %c0_i32, %c0_i32_0 : i32, i32
  }
  func.func @transform_4(%arg0: i32) -> (i32, i32) {
    %c0_i32 = arith.constant 0 : i32
    %c0_i32_0 = arith.constant 0 : i32
    return %arg0, %c0_i32 : i32, i32
  }
}

</mosaic_0001>

<sc_bundles>
// kernel: kernel.6.cloned.1.call-start
scs
__scs_entry_jumppad:
0x0: {  	(pc) =	sbr.rel $0x88, $3  }
0x1: {  	(tag) =	ssettag $0x0;
	lr =	simm.s32 $0x1  }
0x2: {  	[smem:$0x3F99] =	sst lr;
	_ =	strace $0xD0000000  }
0x3: {  	_ = 	snop  }
0x4: {  	_ = 	snop  }
0x5: {  	_ = 	snop  }
0x6: {  	_ = 	snop  }
0x7: {  	_ = 	snop  }
__scs_overlays_trampoline_lowered:
0x8: {  	[smem:$0x3FA8] =	sst s0  }
0x9: {  	[smem:$0x3FA9] =	sst s1  }
0xa: {  	[smem:$0x3FAA] =	sst s2  }
0xb: {  	[smem:$0x3FAB] =	sst s3  }
0xc: {  	[smem:$0x3FAC] =	sst s4  }
0xd: {  	[smem:$0x3FAD] =	sst s5  }
0xe: {  	[smem:$0x3FAE] =	sst s6  }
0xf: {  	[smem:$0x3FAF] =	sst s7  }
0x10: {  	[smem:$0x3FB0] =	sst s8  }
0x11: {  	[smem:$0x3FB1] =	sst s9;
	s0 =	simm.s32 @!p0 $0x0  }
0x12: {  	s1 =	sld [smem:$0x3F97];
	s0 =	simm.s32 @p0 $0x1  }
0x13: {  	[smem:$0x3FB2] =	sst s0;
	s0 =	simm.s32 @!p1 $0x0  }
0x14: {  	s2 =	sld [smem:$0x3F96];
	s0 =	simm.s32 @p1 $0x1  }
0x15: {  	[smem:$0x3FB3] =	sst s0;
	s0 =	simm.s32 @!p2 $0x0  }
0x16: {  	s3 =	sld [smem:$0x3FDB];
	s0 =	simm.s32 @p2 $0x1  }
0x17: {  	s4 =	simm.s32 $0x1BF5;
	[smem:$0x3FB5] =	sst s0  }
0x18: {  	s0 =	sld [smem:$0x3F98];
	_ =	swait.ge [sflag:s4], $0x0  }
0x19: {  	s7 =	sld [smem:$0x3F99]  }
0x1a: {  	s8 =	sadd.s32 $0xFFFFE003, lr  }
0x1b: {  	s9 =	sadd.s32 $0xFFFFFEF7, lr;
	s5 =	simm.s32 $0xFFFFFFFF;
	p2 =	slt.u32 s8, $0xFFFFF086  }
0x1c: {  	p1 =	slt.u32 s9, $0xF7A;
	s5 =	simm.s32 @!p2 $0x0  }
0x1d: {  	s5 =	simm.s32 @p1 $0x1;
	p0 =	seq.s32 s7, s2  }
0x1e: {  	s7 =	smul.u32 @!p0 $0xF7A, s2;
	p2 =	seq.s32 @!p0 s5, $0x0  }
0x1f: {  	s9 =	smul.u32 $0xF7A, s1;
	s8 =	simm.s32 @!p0 $0x1BF5;
	p2 =	por !p2, p0  }
0x20: {  	[sflag:s8] =	ssyncset.s32 @!p0 $0xFFFFF086;
	s6 =	sadd.s32 @!p0 s3, s7;
	s7 =	simm.s32 @!p0 $0x108  }
0x21: {  	s3 =	sadd.s32 s3, s9;
	s6 =	sadd.s32 @!p0 $0x88, s6;
	s7 =	simm.s32 @p2 $0x1082  }
0x22: {  	[simem:s7], [sflag:s8] =	dma.local @!p0 [hbm:s6], $0xF7A  }
0x23: {  	s9 =	sor.u32 $0xD0000000, s2;
	s6 =	simm.s32 $0x108;
	_ =	swait.ge @!p0 [sflag:s8], $0x0  }
0x24: {  	s3 =	sadd.s32 $0x88, s3;
	s6 =	simm.s32 @!p1 $0x1082;
	[sflag:s4] =	ssyncset.s32 $0xFFFFF086  }
0x25: {  	[simem:s6], [sflag:s4] =	dma.local [hbm:s3], $0xF7A  }
0x26: {  	[smem:$0x3F99] =	sst s1;
	(tag) =	ssettag s2;
	_ =	strace s9  }
0x27: {  	s1 =	sld [smem:$0x3FA9]  }
0x28: {  	s2 =	sld [smem:$0x3FAA]  }
0x29: {  	s4 =	sld [smem:$0x3FAC]  }
0x2a: {  	p0 =	seq.s32 s5, $0x0;
	s5 =	sld [smem:$0x3FAD]  }
0x2b: {  	s6 =	sld [smem:$0x3FAE]  }
0x2c: {  	s7 =	sld [smem:$0x3FAF]  }
0x2d: {  	s3 =	simm.s32 $0x108;
	s8 =	sld [smem:$0x3FB0]  }
0x2e: {  	s3 =	simm.s32 @!p0 $0x1082;
	s9 =	sld [smem:$0x3FB1]  }
0x2f: {  	lr =	sadd.s32 s0, s3;
	s0 =	sld [smem:$0x3FA8]  }
0x30: {  	s3 =	sld [smem:$0x3FAB]  }
0x31: {  	[smem:$0x3FB4] =	sst s10  }
0x32: {  	s10 =	sld [smem:$0x3FB2];
	_ =	sdelay $0x3  }
0x33: {  	p0 =	seq.s32 s10, $0x1;
	s10 =	sld [smem:$0x3FB4];
	_ =	sdelay $0x3  }
0x34: {  	[smem:$0x3FB4] =	sst s10  }
0x35: {  	s10 =	sld [smem:$0x3FB3];
	_ =	sdelay $0x3  }
0x36: {  	p1 =	seq.s32 s10, $0x1;
	s10 =	sld [smem:$0x3FB4];
	_ =	sdelay $0x3  }
0x37: {  	[smem:$0x3FB4] =	sst s10  }
0x38: {  	s10 =	sld [smem:$0x3FB5]  }
0x39: {  	_ = 	snop;
	(pc) =	sbr.ind lr, $3  }
0x3a: {  	_ = 	snop  }
0x3b: {  	_ = 	snop  }
0x3c: {  	p2 =	seq.s32 s10, $0x1;
	s10 =	sld [smem:$0x3FB4]  }
0x3d: {  	_ =	shalt  }
0x3e: {  	_ =	shalt  }
0x3f: {  	_ =	shalt  }
0x40: {  	_ =	shalt  }
0x41: {  	_ =	shalt  }
0x42: {  	_ =	shalt  }
0x43: {  	_ =	shalt  }
0x44: {  	_ =	shalt  }
0x45: {  	_ =	shalt  }
0x46: {  	_ =	shalt  }
0x47: {  	_ =	shalt  }
0x48: {  	_ =	shalt  }
0x49: {  	_ =	shalt  }
0x4a: {  	_ =	shalt  }
0x4b: {  	_ =	shalt  }
0x4c: {  	_ =	shalt  }
0x4d: {  	_ =	shalt  }
0x4e: {  	_ =	shalt  }
0x4f: {  	_ =	shalt  }
0x50: {  	_ =	shalt  }
0x51: {  	_ =	shalt  }
0x52: {  	_ =	shalt  }
0x53: {  	_ =	shalt  }
0x54: {  	_ =	shalt  }
0x55: {  	_ =	shalt  }
0x56: {  	_ =	shalt  }
0x57: {  	_ =	shalt  }
0x58: {  	_ =	shalt  }
0x59: {  	_ =	shalt  }
0x5a: {  	_ =	shalt  }
0x5b: {  	_ =	shalt  }
0x5c: {  	_ =	shalt  }
0x5d: {  	_ =	shalt  }
0x5e: {  	_ =	shalt  }
0x5f: {  	_ =	shalt  }
0x60: {  	_ =	shalt  }
0x61: {  	_ =	shalt  }
0x62: {  	_ =	shalt  }
0x63: {  	_ =	shalt  }
0x64: {  	_ =	shalt  }
0x65: {  	_ =	shalt  }
0x66: {  	_ =	shalt  }
0x67: {  	_ =	shalt  }
0x68: {  	_ =	shalt  }
0x69: {  	_ =	shalt  }
0x6a: {  	_ =	shalt  }
0x6b: {  	_ =	shalt  }
0x6c: {  	_ =	shalt  }
0x6d: {  	_ =	shalt  }
0x6e: {  	_ =	shalt  }
0x6f: {  	_ =	shalt  }
0x70: {  	_ =	shalt  }
0x71: {  	_ =	shalt  }
0x72: {  	_ =	shalt  }
0x73: {  	_ =	shalt  }
0x74: {  	_ =	shalt  }
0x75: {  	_ =	shalt  }
0x76: {  	_ =	shalt  }
0x77: {  	_ =	shalt  }
0x78: {  	_ =	shalt  }
0x79: {  	_ =	shalt  }
0x7a: {  	_ =	shalt  }
0x7b: {  	_ =	shalt  }
0x7c: {  	_ =	shalt  }
0x7d: {  	_ =	shalt  }
0x7e: {  	_ =	shalt  }
0x7f: {  	_ =	shalt  }
0x80: {  	_ =	shalt  }
0x81: {  	_ =	shalt  }
0x82: {  	_ =	shalt  }
0x83: {  	_ =	shalt  }
0x84: {  	_ =	shalt  }
0x85: {  	_ =	shalt  }
0x86: {  	_ =	shalt  }
0x87: {  	_ =	shalt  }
.Lfunc_end0:
.L_simem_size_0:
called_computation_lowered:
.L_overlay_start_0:
0x88: {  	s2 =	sld [smem:$0x3FD9]  }
0x89: {  	s3 =	sld [smem:$0x3FFE];
	_ =	sdelay $0x1  }
0x8a: {  	s1 =	srdreg.scid  }
0x8b: {  	s0 =	sand.u32 $0x1, s1  }
0x8c: {  	s17 =	sshll.u32 s0, $0xA;
	s2 =	sadd.s32 s3, s2  }
0x8d: {  	s2 =	sadd.s32 s2, s17  }
0x8e: {  	[smem:$0x3FC0] =	sst s2  }
0x8f: {  	_ = 	snop  }
0x90: {  	s2 =	sld [smem:$0x3FC9]  }
0x91: {  	s18 =	sld [smem:$0x3FD0];
	(tm) =	ssettm $0x1  }
0x92: {  	s4 =	sld [smem:$0x3FFB];
	_ =	sdelay $0x3  }
0x93: {  	_ =	strace s4  }
0x94: {  	s4 =	sld [smem:$0x3FFC];
	_ =	sdelay $0x3  }
0x95: {  	_ =	strace s4  }
0x96: {  	s4 =	sld [smem:$0x3FFD];
	_ =	sdelay $0x3  }
0x97: {  	_ =	strace s4  }
0x98: {  	_ =	strace $0x8FFFFFFF  }
0x99: {  	s19 =	sld [smem:$0x3FDB];
	_ =	sdelay $0x1  }
0x9a: {  	s5 =	simm.s32 $_scs_section_size  }
0x9b: {  	s6 =	simm.s32 $_size__tile_overlayer_lowered;
	s7 =	simm.s32 $_tile_overlayer_lowered  }
0x9c: {  	s22 =	simm.s32 $0x1BFF;
	s21 =	sshll.u32 s7, $0x1;
	s4 =	sadd.s32 s5, s19  }
0x9d: {  	s8 =	simm.s32 $0x0;
	s20 =	sshll.u32 s6, $0x1;
	s6 =	sadd.s32 s21, s4  }
0x9e: {  	[timem:s8], [sflag:s22] =	dma.local [hbm:s6], s20  }
0x9f: {  	_ =	swait.ge [sflag:s22], s20  }
0xa0: {  	s5 =	ssub.s32 $0x0, s20;
	[sflag:s22] =	ssyncset.done $0x0  }
0xa1: {  	[sflag:s22] =	ssyncadd.s32 s5;
	_ =	sdelay $0x1  }
0xa2: {  	s23 =	simm.s32 $0x1B8B  }
0xa3: {  	_ =	swait.ge [sflag:s23], $0x1  }
0xa4: {  	[sflag:s23] =	ssyncset.done $0x0  }
0xa5: {  	s25 =	simm.s32 $0x1B8E;
	s24 =	sld [smem:$0x3FFE];
	[sflag:s23] =	ssyncadd.s32 $0xFFFFFFFF  }
0xa6: {  	s26 =	simm.s32 $execute0_lowered;
	[smem:$0x3FD2] =	sst s25  }
0xa7: {  	s6 =	sshll.u32 s26, $0x1;
	_ =	strace $0x80000046;
	[dreg:$0x1] =	wrdreg $0xFFFFFFFF  }
0xa8: {  	s28 =	simm.s32 $_size_execute0_lowered;
	s4 =	sadd.s32 s4, s6;
	[dreg:$0x0] =	wrdreg $0x0  }
0xa9: {  	s6 =	sshll.u32 s28, $0x1;
	[dreg:$0x2] =	wrdreg s4  }
0xaa: {  	[dreg:$0x3] =	wrdreg s6  }
0xab: {  	[dreg:$0x4] =	wrdreg $0xC0  }
0xac: {  	_ =	task [dreg:s8], $0x5FFFF  }
0xad: {  	[dreg:$0x1] =	wrdreg $0xFFFFFFFF  }
0xae: {  	[dreg:$0x0] =	wrdreg $0x60  }
0xaf: {  	[dreg:$0x2] =	wrdreg s2  }
0xb0: {  	[dreg:$0x3] =	wrdreg s24  }
0xb1: {  	[dreg:$0x4] =	wrdreg s18  }
0xb2: {  	[dreg:$0x5] =	wrdreg $0x81000  }
0xb3: {  	[dreg:$0x6] =	wrdreg $0x1C4E80  }
0xb4: {  	[dreg:$0x7] =	wrdreg $0x9  }
0xb5: {  	_ =	task.clear_ibuf [dreg:s8], $0x8FFFF;
	_ =	strace $0x90000046  }
0xb6: {  	s29 =	simm.s32 $0x9;
	_ =	strace $0x80000048  }
0xb7: {  	_ =	swait.ge [sflag:s29], $0x1  }
0xb8: {  	[sflag:s29] =	ssyncadd.s32 $0xFFFFFFFF  }
0xb9: {  	_ =	strace $0x90000048  }
0xba: {  	_ =	sfence  }
0xbb: {  	s30 =	sld [smem:$0x0];
	_ =	sdelay $0x2  }
0xbc: {  	s31 =	sshll.u32 s1, $0xD;
	s1 =	sshrl.u32 s1, $0x2  }
0xbd: {  	s3 =	sand.u32 $0x4000, s31;
	s1 =	sadd.s32 s1, s30  }
0xbe: {  	s0 =	sor.u32 s3, s0;
	s1 =	sshll.u32 s1, $0x11  }
0xbf: {  	s0 =	sor.u32 s1, s0  }
0xc0: {  	s0 =	sadd.s32 $0x8F2B, s0  }
0xc1: {  	[sflag:s0] =	ssyncadd.remote.s32 $0x1  }
0xc2: {  	_ =	sfence.sel $0xFFFF  }
0xc3: {  	[dreg:$0x0] =	wrdreg $0xFFFFFFFF;
	(pc) =	sbr.abs _section_cstart, $3  }
0xc4: {  	[dreg:$0x1] =	wrdreg $0xFFFFFFFF  }
0xc5: {  	_ =	task.clear_ibuf [dreg:s8], $0x2FFFF;
	_ =	strace $0x9FFFFFFF  }
0xc6: {  	(tm) =	ssettm $0x7FFFFFFF  }
0xc7: {  	_ =	shalt  }
tec
execute0_lowered:
.L_overlay_start_1:
0x0: {  	(tag) =	ssettag $0x1  }
0x1: {  	s1 =	rddreg [dreg:$0x0]  }
0x2: {  	s0 =	rddreg [dreg:$0x1]  }
0x3: {  	s4 =	rddreg [dreg:$0x3]  }
0x4: {  	s5 =	rddreg [dreg:$0x4];
	s2 =	srdreg.scid  }
0x5: {  	s15 =	stileid.u32;
	s6 =	simm.s32 $0x0;
	s28 =	simm.s32 $0x3E80  }
0x6: {  	s29 =	simm.s32 $0x8000;
	s30 =	simm.s32 $0x6;
	s31 =	simm.s32 $0x7E80  }
0x7: {  	s2 =	sand.u32 $0x1, s2;
	s3 =	smul.u32 $0x14000, s15;
	[smem:$0x7FF] =	sst s6  }
0x8: {  	s8 =	sadd.s32 $0x2000, s0;
	s9 =	sadd.s32 $0x16000, s0;
	s10 =	smul.u32 $0x1400, s15  }
0x9: {  	s24 =	sshll.u32 s15, $0x1;
	s12 =	sadd.s32 $0x18800, s0;
	s13 =	smul.u32 $0xA000, s15  }
0xa: {  	s7 =	smul.u32 $0x140000, s2;
	_ =	strace $0x80000047;
	[dreg:$0xa] =	wrdreg s9  }
0xb: {  	s11 =	smul.u32 $0x14000, s2;
	s9 =	sor.u32 s2, s24;
	[dreg:$0xb] =	wrdreg s12  }
0xc: {  	s25 =	ssub.s32 $0x2, s2;
	s2 =	smul.u32 $0x5000, s2;
	s12 =	simm.s32 $0x0  }
0xd: {  	s9 =	smul.u32 $0x5000, s9;
	s14 =	sshrl.u32 s25, $0x1;
	s7 =	sadd.s32 s3, s7  }
0xe: {  	s11 =	sadd.s32 s10, s11;
	s26 =	ssub.s32 s25, s14;
	s3 =	sadd.s32 s3, s4  }
0xf: {  	s14 =	sshll.u32 s15, $0x6;
	s2 =	sadd.s32 s2, s13;
	s10 =	sadd.s32 s10, s5  }
0x10: {  	s7 =	sshrl.u32 s7, $0x3;
	s11 =	sshrl.u32 s11, $0x3;
	s15 =	sshrl.u32 s9, $0x3  }
0x11: {  	s9 =	sor.u32 $0x1C09, s14;
	s17 =	sor.u32 $0x500, s2;
	[dreg:$0xd] =	wrdreg s10  }
0x12: {  	s21 =	sor.u32 $0x400, s2;
	s23 =	sor.u32 $0x300, s2;
	s2 =	sor.u32 $0x200, s2  }
0x13: {  	s26 =	smax.u32 s26, $0x1;
	s13 =	sshrl.u32 s3, $0x3;
	s3 =	simm.s32 $0x7  }
0x14: {  	s7 =	sadd.s32 s7, s0;
	s0 =	sadd.s32 s11, s0;
	s16 =	sadd.s32 s8, s15  }
0x15: {  	s19 =	sshrl.u32 s17, $0x3;
	s22 =	sshrl.u32 s21, $0x3;
	[dreg:$0x11] =	wrdreg s26  }
0x16: {  	s10 =	sshrl.u32 s23, $0x3;
	s2 =	sshrl.u32 s2, $0x3;
	[dreg:$0x12] =	wrdreg s13  }
0x17: {  	s17 =	simm.s32 $0x9;
	[dreg:$0xc] =	wrdreg s16;
	s18 =	sadd.s32 $0x20, s16  }
0x18: {  	s21 =	simm.s32 $0x1;
	s7 =	sadd.s32 $0x1DA00, s7;
	[dreg:$0xe] =	wrdreg s18  }
0x19: {  	s23 =	simm.s32 $0x7F00;
	s20 =	sadd.s32 s19, s8;
	[dreg:$0xf] =	wrdreg s7  }
0x1a: {  	s26 =	simm.s32 $0x2;
	s0 =	sadd.s32 $0x18A00, s0;
	[dreg:$0x6] =	wrdreg s20  }
0x1b: {  	s11 =	simm.s32 $0x8080;
	s24 =	sadd.s32 s10, s8;
	[dreg:$0x10] =	wrdreg s0  }
0x1c: {  	s25 =	sadd.s32 s2, s8;
	s19 =	simm.s32 $0x7D00;
	[dreg:$0x8] =	wrdreg s24  }
0x1d: {  	s2 =	simm.s32 $0x7F80;
	s7 =	sadd.s32 s22, s8;
	[dreg:$0x9] =	wrdreg s25  }
0x1e: {  	s18 =	simm.s32 $0x1C100;
	s20 =	simm.s32 $0x7E00;
	s22 =	simm.s32 $0x7D  }
0x1f: {  	s24 =	simm.s32 $0x5;
	s25 =	simm.s32 $0x7D80;
	s0 =	simm.s32 $0x3  }
0x20: {  	s8 =	simm.s32 $0x8;
	[dreg:$0x7] =	wrdreg s7;
	s7 =	simm.s32 $0x4  }
.LBB2_1:
0x21: {  	s10 =	rddreg [dreg:$0xa]  }
0x22: {  	[spmem:s13], [sflag:s9] =	dma.local [hbm:s10], $0x2800  }
0x23: {  	_ =	swait.ge [sflag:s17], $0x2800  }
0x24: {  	[sflag:s17] =	ssyncset.done $0x0  }
0x25: {  	s16 =	rddreg [dreg:$0xb];
	[sflag:s17] =	ssyncadd.s32 $0xFFFFD800  }
0x26: {  	[tilespmem:s18], [sflag:$0x9] =	stream.linear.gather [hbm4b:s16+s6], $0x3E8, $0x38;
	[tilespmem:$0x1D8E8] =	vst v63  }
0x27: {  	_ =	swait.ge [sflag:s17], $0x3E8  }
0x28: {  	[sflag:s17] =	ssyncset.done $0x0  }
0x29: {  	s13 =	rddreg [dreg:$0xd];
	[sflag:s17] =	ssyncadd.s32 $0xFFFFFC18  }
0x2a: {  	s14 =	sshrl.u32 s13, $0x3;
	s15 =	rddreg [dreg:$0x2]  }
0x2b: {  	[dreg:$0x13] =	wrdreg s14  }
0x2c: {  	[spmem:s14], [sflag:s9] =	dma.local [hbm:s15], $0x280  }
0x2d: {  	_ =	swait.ge [sflag:s17], $0x280  }
0x2e: {  	[sflag:s17] =	ssyncset.done $0x0  }
0x2f: {  	[sflag:s17] =	ssyncadd.s32 $0xFFFFFD80  }
0x30: {  	[bflag:$0x0] =	sbarrier.arrive $0xFFFF  }
0x31: {  	s16 =	rddreg [dreg:$0xc]  }
0x32: {  	[tilespmem:s19], [sflag:$0x1] =	stream.linear.gather [hbm4b:s16+s6], $0x100, $0x38;
	[tilespmem:$0x1D8E8] =	vst v63  }
0x33: {  	s13 =	rddreg [dreg:$0xe]  }
0x34: {  	[tilespmem:s20], [sflag:$0x2] =	stream.linear.gather [hbm4b:s13+s6], $0x100, $0x38;
	[tilespmem:$0x1D8E8] =	vst v63  }
0x35: {  	_ =	swait.ge [sflag:s21], $0x100  }
0x36: {  	p0 =	por $0x1, $0x1;
	[sflag:s21] =	ssyncset.done $0x0  }
0x37: {  	s10 =	simm.s32 @!p0 $0x7;
	[sflag:s21] =	ssyncadd.s32 $0xFFFFFF00  }
0x38: {  	_ =	swait.ge @!p0 [sflag:s10], $0x3E80  }
0x39: {  	[sflag:s10] =	ssyncset.done @!p0 $0x0  }
0x3a: {  	[sflag:s10] =	ssyncadd.s32 @!p0 $0xFFFFC180  }
0x3b: {  	_ =	swait.ge @!p0 [sflag:s10], $0x3E8  }
0x3c: {  	[sflag:s10] =	ssyncset.done @!p0 $0x0  }
0x3d: {  	s14 =	rddreg [dreg:$0x9];
	[sflag:s10] =	ssyncadd.s32 @!p0 $0xFFFFFC18  }
0x3e: {  	[tilespmem:s6], [sflag:$0x5] =	stream.indirect.gather [hbm4b:s1+s22], $0x80, s19, s22, $0xb8;
	[tilespmem:$0x1D8E8] =	vst v63  }
0x3f: {  	s14 =	sadd.s32 $0x0, s14  }
0x40: {  	[tilespmem:s23], [sflag:$0x3] =	stream.linear.gather [hbm4b:s14+s6], $0x100, $0x38;
	[tilespmem:$0x1D8E8] =	vst v63  }
0x41: {  	_ =	swait.ge [sflag:s24], $0x3E80  }
0x42: {  	[sflag:s24] =	ssyncset.done $0x0  }
0x43: {  	[sflag:s24] =	ssyncadd.s32 $0xFFFFC180  }
0x44: {  	[spmem:s4] =	stream.indirect.scatter.add.f32 [tilespmem:s6], [sflag:$0x7], $0x80, s25, s22, $0xb8;
	[tilespmem:$0x1D8E8] =	vst v63  }
0x45: {  	_ = 	snop  }
0x46: {  	[spmem:s5] =	stream.indirect.scatter.add.f32 [tilespmem:s18], [sflag:$0x7], $0x8, s25, s22, $0xb8;
	[tilespmem:$0x1D8E8] =	vst v63  }
0x47: {  	_ =	swait.ge [sflag:s26], $0x100  }
0x48: {  	[sflag:s26] =	ssyncset.done $0x0  }
0x49: {  	s10 =	simm.s32 @!p0 $0x8;
	[sflag:s26] =	ssyncadd.s32 $0xFFFFFF00  }
0x4a: {  	_ =	swait.ge @!p0 [sflag:s10], $0x3E80  }
0x4b: {  	[sflag:s10] =	ssyncset.done @!p0 $0x0  }
0x4c: {  	[sflag:s10] =	ssyncadd.s32 @!p0 $0xFFFFC180  }
0x4d: {  	_ =	swait.ge @!p0 [sflag:s10], $0x3E8  }
0x4e: {  	[sflag:s10] =	ssyncset.done @!p0 $0x0  }
0x4f: {  	s15 =	rddreg [dreg:$0x8];
	[sflag:s10] =	ssyncadd.s32 @!p0 $0xFFFFFC18  }
0x50: {  	[tilespmem:s28], [sflag:$0x6] =	stream.indirect.gather [hbm4b:s1+s22], $0x80, s20, s22, $0xb8;
	[tilespmem:$0x1D8E8] =	vst v63  }
0x51: {  	s16 =	sadd.s32 $0x0, s15  }
0x52: {  	[tilespmem:s29], [sflag:$0x4] =	stream.linear.gather [hbm4b:s16+s6], $0x100, $0x38;
	[tilespmem:$0x1D8E8] =	vst v63  }
0x53: {  	_ =	swait.ge [sflag:s30], $0x3E80  }
0x54: {  	[sflag:s30] =	ssyncset.done $0x0  }
0x55: {  	[sflag:s30] =	ssyncadd.s32 $0xFFFFC180  }
0x56: {  	[spmem:s4] =	stream.indirect.scatter.add.f32 [tilespmem:s28], [sflag:$0x8], $0x80, s31, s22, $0xb8;
	[tilespmem:$0x1D8E8] =	vst v63  }
0x57: {  	_ = 	snop  }
0x58: {  	[spmem:s5] =	stream.indirect.scatter.add.f32 [tilespmem:s18], [sflag:$0x8], $0x8, s31, s22, $0xb8;
	[tilespmem:$0x1D8E8] =	vst v63  }
0x59: {  	_ =	swait.ge [sflag:s0], $0x100  }
0x5a: {  	[sflag:s0] =	ssyncset.done $0x0  }
0x5b: {  	[sflag:s0] =	ssyncadd.s32 $0xFFFFFF00  }
0x5c: {  	_ =	swait.ge [sflag:s3], $0x3E80  }
0x5d: {  	[sflag:s3] =	ssyncset.done $0x0  }
0x5e: {  	[sflag:s3] =	ssyncadd.s32 $0xFFFFC180  }
0x5f: {  	_ =	swait.ge [sflag:s3], $0x3E8  }
0x60: {  	[sflag:s3] =	ssyncset.done $0x0  }
0x61: {  	p0 =	por $0x0, $0x0;
	s10 =	rddreg [dreg:$0x7];
	[sflag:s3] =	ssyncadd.s32 $0xFFFFFC18  }
0x62: {  	[tilespmem:s6], [sflag:$0x5] =	stream.indirect.gather [hbm4b:s1+s22], $0x80, s23, s22, $0xb8;
	[tilespmem:$0x1D8E8] =	vst v63  }
0x63: {  	s14 =	simm.s32 @!p0 $0x0;
	s15 =	simm.s32 @!p0 $0x7D00;
	s10 =	sadd.s32 @!p0 $0x0, s10  }
0x64: {  	[tilespmem:s15], [sflag:$0x1] =	stream.linear.gather @!p0 [hbm4b:s10+s14], $0x100, $0x38;
	[tilespmem:$0x1D8E8] =	vst v63  }
0x65: {  	_ =	swait.ge [sflag:s24], $0x3E80  }
0x66: {  	[sflag:s24] =	ssyncset.done $0x0  }
0x67: {  	[sflag:s24] =	ssyncadd.s32 $0xFFFFC180  }
0x68: {  	[spmem:s4] =	stream.indirect.scatter.add.f32 [tilespmem:s6], [sflag:$0x7], $0x80, s2, s22, $0xb8;
	[tilespmem:$0x1D8E8] =	vst v63  }
0x69: {  	_ = 	snop  }
0x6a: {  	[spmem:s5] =	stream.indirect.scatter.add.f32 [tilespmem:s18], [sflag:$0x7], $0x8, s2, s22, $0xb8;
	[tilespmem:$0x1D8E8] =	vst v63  }
0x6b: {  	_ =	swait.ge [sflag:s7], $0x100  }
0x6c: {  	[sflag:s7] =	ssyncset.done $0x0  }
0x6d: {  	[sflag:s7] =	ssyncadd.s32 $0xFFFFFF00  }
0x6e: {  	_ =	swait.ge [sflag:s8], $0x3E80  }
0x6f: {  	[sflag:s8] =	ssyncset.done $0x0  }
0x70: {  	[sflag:s8] =	ssyncadd.s32 $0xFFFFC180  }
0x71: {  	_ =	swait.ge [sflag:s8], $0x3E8  }
0x72: {  	[sflag:s8] =	ssyncset.done $0x0  }
0x73: {  	s10 =	rddreg [dreg:$0x6];
	[sflag:s8] =	ssyncadd.s32 $0xFFFFFC18  }
0x74: {  	[tilespmem:s28], [sflag:$0x6] =	stream.indirect.gather [hbm4b:s1+s22], $0x80, s29, s22, $0xb8;
	[tilespmem:$0x1D8E8] =	vst v63  }
0x75: {  	s15 =	simm.s32 @!p0 $0x7E00;
	s10 =	sadd.s32 @!p0 $0x0, s10  }
0x76: {  	[tilespmem:s15], [sflag:$0x2] =	stream.linear.gather @!p0 [hbm4b:s10+s14], $0x100, $0x38;
	[tilespmem:$0x1D8E8] =	vst v63  }
0x77: {  	_ =	swait.ge [sflag:s30], $0x3E80  }
0x78: {  	[sflag:s30] =	ssyncset.done $0x0  }
0x79: {  	s10 =	simm.s32 $0x80;
	[sflag:s30] =	ssyncadd.s32 $0xFFFFC180  }
0x7a: {  	[spmem:s4] =	stream.indirect.scatter.add.f32 [tilespmem:s28], [sflag:$0x8], $0x80, s11, s22, $0xb8;
	[tilespmem:$0x1D8E8] =	vst v63  }
.LBB2_2:
0x7b: {  	[spmem:s5] =	stream.indirect.scatter.add.f32 [tilespmem:s18], [sflag:$0x8], $0x8, s11, s22, $0xb8;
	[tilespmem:$0x1D8E8] =	vst v63  }
0x7c: {  	s14 =	smov.u32 s10;
	_ =	swait.ge [sflag:s21], $0x100  }
0x7d: {  	p1 =	seq.s32 s14, $0x0;
	[sflag:s21] =	ssyncset.done $0x0  }
0x7e: {  	s15 =	simm.s32 @!p1 $0x7;
	[sflag:s21] =	ssyncadd.s32 $0xFFFFFF00  }
0x7f: {  	_ =	swait.ge @!p1 [sflag:s15], $0x3E80  }
0x80: {  	[sflag:s15] =	ssyncset.done @!p1 $0x0  }
0x81: {  	[sflag:s15] =	ssyncadd.s32 @!p1 $0xFFFFC180  }
0x82: {  	_ =	swait.ge @!p1 [sflag:s15], $0x3E8  }
0x83: {  	[sflag:s15] =	ssyncset.done @!p1 $0x0  }
0x84: {  	s16 =	rddreg [dreg:$0x9];
	[sflag:s15] =	ssyncadd.s32 @!p1 $0xFFFFFC18  }
0x85: {  	[tilespmem:s6], [sflag:$0x5] =	stream.indirect.gather [hbm4b:s1+s22], $0x80, s19, s22, $0xb8;
	[tilespmem:$0x1D8E8] =	vst v63  }
0x86: {  	s16 =	sadd.s32 s14, s16  }
0x87: {  	[tilespmem:s23], [sflag:$0x3] =	stream.linear.gather [hbm4b:s16+s6], $0x100, $0x38;
	[tilespmem:$0x1D8E8] =	vst v63  }
0x88: {  	_ =	swait.ge [sflag:s24], $0x3E80  }
0x89: {  	[sflag:s24] =	ssyncset.done $0x0  }
0x8a: {  	[sflag:s24] =	ssyncadd.s32 $0xFFFFC180  }
0x8b: {  	[spmem:s4] =	stream.indirect.scatter.add.f32 [tilespmem:s6], [sflag:$0x7], $0x80, s25, s22, $0xb8;
	[tilespmem:$0x1D8E8] =	vst v63  }
0x8c: {  	_ = 	snop  }
0x8d: {  	[spmem:s5] =	stream.indirect.scatter.add.f32 [tilespmem:s18], [sflag:$0x7], $0x8, s25, s22, $0xb8;
	[tilespmem:$0x1D8E8] =	vst v63  }
0x8e: {  	_ =	swait.ge [sflag:s26], $0x100  }
0x8f: {  	[sflag:s26] =	ssyncset.done $0x0  }
0x90: {  	s15 =	simm.s32 @!p1 $0x8;
	[sflag:s26] =	ssyncadd.s32 $0xFFFFFF00  }
0x91: {  	_ =	swait.ge @!p1 [sflag:s15], $0x3E80  }
0x92: {  	[sflag:s15] =	ssyncset.done @!p1 $0x0  }
0x93: {  	[sflag:s15] =	ssyncadd.s32 @!p1 $0xFFFFC180  }
0x94: {  	_ =	swait.ge @!p1 [sflag:s15], $0x3E8  }
0x95: {  	[sflag:s15] =	ssyncset.done @!p1 $0x0  }
0x96: {  	s13 =	rddreg [dreg:$0x8];
	[sflag:s15] =	ssyncadd.s32 @!p1 $0xFFFFFC18  }
0x97: {  	[tilespmem:s28], [sflag:$0x6] =	stream.indirect.gather [hbm4b:s1+s22], $0x80, s20, s22, $0xb8;
	[tilespmem:$0x1D8E8] =	vst v63  }
0x98: {  	s16 =	sadd.s32 s14, s13  }
0x99: {  	[tilespmem:s29], [sflag:$0x4] =	stream.linear.gather [hbm4b:s16+s6], $0x100, $0x38;
	[tilespmem:$0x1D8E8] =	vst v63  }
0x9a: {  	_ =	swait.ge [sflag:s30], $0x3E80  }
0x9b: {  	[sflag:s30] =	ssyncset.done $0x0  }
0x9c: {  	[sflag:s30] =	ssyncadd.s32 $0xFFFFC180  }
0x9d: {  	[spmem:s4] =	stream.indirect.scatter.add.f32 [tilespmem:s28], [sflag:$0x8], $0x80, s31, s22, $0xb8;
	[tilespmem:$0x1D8E8] =	vst v63  }
0x9e: {  	_ = 	snop  }
0x9f: {  	[spmem:s5] =	stream.indirect.scatter.add.f32 [tilespmem:s18], [sflag:$0x8], $0x8, s31, s22, $0xb8;
	[tilespmem:$0x1D8E8] =	vst v63  }
0xa0: {  	_ =	swait.ge [sflag:s0], $0x100  }
0xa1: {  	[sflag:s0] =	ssyncset.done $0x0  }
0xa2: {  	[sflag:s0] =	ssyncadd.s32 $0xFFFFFF00  }
0xa3: {  	_ =	swait.ge [sflag:s3], $0x3E80  }
0xa4: {  	[sflag:s3] =	ssyncset.done $0x0  }
0xa5: {  	[sflag:s3] =	ssyncadd.s32 $0xFFFFC180  }
0xa6: {  	_ =	swait.ge [sflag:s3], $0x3E8  }
0xa7: {  	[sflag:s3] =	ssyncset.done $0x0  }
0xa8: {  	p1 =	seq.s32 s14, $0x980;
	s15 =	rddreg [dreg:$0x7];
	[sflag:s3] =	ssyncadd.s32 $0xFFFFFC18  }
0xa9: {  	[tilespmem:s6], [sflag:$0x5] =	stream.indirect.gather [hbm4b:s1+s22], $0x80, s23, s22, $0xb8;
	[tilespmem:$0x1D8E8] =	vst v63  }
0xaa: {  	s13 =	simm.s32 @!p1 $0x7D00;
	s16 =	simm.s32 @!p1 $0x0;
	s15 =	sadd.s32 @!p1 s14, s15  }
0xab: {  	[tilespmem:s13], [sflag:$0x1] =	stream.linear.gather @!p1 [hbm4b:s15+s16], $0x100, $0x38;
	[tilespmem:$0x1D8E8] =	vst v63  }
0xac: {  	_ =	swait.ge [sflag:s24], $0x3E80  }
0xad: {  	[sflag:s24] =	ssyncset.done $0x0  }
0xae: {  	[sflag:s24] =	ssyncadd.s32 $0xFFFFC180  }
0xaf: {  	[spmem:s4] =	stream.indirect.scatter.add.f32 [tilespmem:s6], [sflag:$0x7], $0x80, s2, s22, $0xb8;
	[tilespmem:$0x1D8E8] =	vst v63  }
0xb0: {  	_ = 	snop  }
0xb1: {  	[spmem:s5] =	stream.indirect.scatter.add.f32 [tilespmem:s18], [sflag:$0x7], $0x8, s2, s22, $0xb8;
	[tilespmem:$0x1D8E8] =	vst v63  }
0xb2: {  	_ =	swait.ge [sflag:s7], $0x100  }
0xb3: {  	[sflag:s7] =	ssyncset.done $0x0  }
0xb4: {  	[sflag:s7] =	ssyncadd.s32 $0xFFFFFF00  }
0xb5: {  	_ =	swait.ge [sflag:s8], $0x3E80  }
0xb6: {  	[sflag:s8] =	ssyncset.done $0x0  }
0xb7: {  	[sflag:s8] =	ssyncadd.s32 $0xFFFFC180  }
0xb8: {  	_ =	swait.ge [sflag:s8], $0x3E8  }
0xb9: {  	[sflag:s8] =	ssyncset.done $0x0  }
0xba: {  	s10 =	sadd.s32 $0x80, s10;
	s13 =	rddreg [dreg:$0x6];
	[sflag:s8] =	ssyncadd.s32 $0xFFFFFC18  }
0xbb: {  	[tilespmem:s28], [sflag:$0x6] =	stream.indirect.gather [hbm4b:s1+s22], $0x80, s29, s22, $0xb8;
	[tilespmem:$0x1D8E8] =	vst v63  }
0xbc: {  	p0 =	sne.s32 s10, $0xA00;
	s13 =	sadd.s32 @!p1 s14, s13;
	s14 =	simm.s32 @!p1 $0x7E00  }
0xbd: {  	[tilespmem:s14], [sflag:$0x2] =	stream.linear.gather @!p1 [hbm4b:s13+s16], $0x100, $0x38;
	[tilespmem:$0x1D8E8] =	vst v63  }
.Ltmp0:
0xbe: {  	_ = 	snop;
	(pc) =	sbr.rel @p0 .LBB2_2-.Ltmp0, $4  }
0xbf: {  	_ =	swait.ge [sflag:s30], $0x3E80  }
0xc0: {  	[sflag:s30] =	ssyncset.done $0x0  }
0xc1: {  	[sflag:s30] =	ssyncadd.s32 $0xFFFFC180  }
0xc2: {  	[spmem:s4] =	stream.indirect.scatter.add.f32 [tilespmem:s28], [sflag:$0x8], $0x80, s11, s22, $0xb8;
	[tilespmem:$0x1D8E8] =	vst v63  }
0xc3: {  	[spmem:s5] =	stream.indirect.scatter.add.f32 [tilespmem:s18], [sflag:$0x8], $0x8, s11, s22, $0xb8;
	[tilespmem:$0x1D8E8] =	vst v63  }
0xc4: {  	_ =	swait.ge [sflag:s3], $0x3E80  }
0xc5: {  	[sflag:s3] =	ssyncset.done $0x0  }
0xc6: {  	[sflag:s3] =	ssyncadd.s32 $0xFFFFC180  }
0xc7: {  	_ =	swait.ge [sflag:s3], $0x3E8  }
0xc8: {  	[sflag:s3] =	ssyncset.done $0x0  }
0xc9: {  	[sflag:s3] =	ssyncadd.s32 $0xFFFFFC18  }
0xca: {  	_ =	swait.ge [sflag:s8], $0x3E80  }
0xcb: {  	[sflag:s8] =	ssyncset.done $0x0  }
0xcc: {  	[sflag:s8] =	ssyncadd.s32 $0xFFFFC180  }
0xcd: {  	_ =	swait.ge [sflag:s8], $0x3E8  }
0xce: {  	[sflag:s8] =	ssyncset.done $0x0  }
0xcf: {  	[sflag:s8] =	ssyncadd.s32 $0xFFFFFC18  }
0xd0: {  	[bflag:$0x0] =	sbarrier.arrive $0xFFFF  }
0xd1: {  	s10 =	rddreg [dreg:$0xf]  }
0xd2: {  	s13 =	rddreg [dreg:$0x12]  }
0xd3: {  	[hbm:s10], [sflag:s9] =	dma.local [spmem:s13], $0x2800  }
0xd4: {  	_ =	swait.ge [sflag:s17], $0x2800  }
0xd5: {  	[sflag:s17] =	ssyncset.done $0x0;
	s15 =	rddreg [dreg:$0x10]  }
0xd6: {  	s14 =	rddreg [dreg:$0x13];
	[sflag:s17] =	ssyncadd.s32 $0xFFFFD800  }
0xd7: {  	[hbm:s15], [sflag:s9] =	dma.local [spmem:s14], $0x280  }
0xd8: {  	_ =	swait.ge [sflag:s17], $0x280  }
0xd9: {  	s12 =	sadd.s32 $0x1, s12;
	s16 =	rddreg [dreg:$0x11]  }
0xda: {  	p0 =	sne.s32 s12, s16  }
.Ltmp1:
0xdb: {  	_ = 	snop;
	(pc) =	sbr.rel @p0 .LBB2_1-.Ltmp1, $3  }
0xdc: {  	_ =	sdelay $0x1  }
0xdd: {  	[sflag:s17] =	ssyncset.done $0x0  }
0xde: {  	[sflag:s17] =	ssyncadd.s32 $0xFFFFFD80  }
0xdf: {  	_ =	sfence.sel $0x180000  }
0xe0: {  	[bflag:$0x0] =	sbarrier.arrive $0xFFFF  }
0xe1: {  	_ =	strace $0x90000047  }
0xe2: {  	s0 =	stileid.u32;
	[bflag:$0x2] =	sbarrier.arrive $0xFFFF  }
0xe3: {  	p0 =	sne.s32 s0, $0x0;
	s0 =	rddreg [dreg:$0x5]  }
0xe4: {  	s0 =	sadd.s32 @!p0 $0x100000, s0  }
0xe5: {  	[sflag:s0] =	ssyncadd.tile.s32 @!p0 $0x1;
	_ =	shalt  }
.Lfunc_end2:
_tile_overlayer_lowered:
.L_overlay_start_2:
0xe6: {  	(tag) =	ssettag $0x2  }
0xe7: {  	s0 =	rddreg [dreg:$0x0];
	s2 =	stileid.u32  }
0xe8: {  	s1 =	rddreg [dreg:$0x1];
	p0 =	sne.s32 s2, $0x0  }
0xe9: {  	s3 =	rddreg [dreg:$0x2];
	[bflag:$0x3] =	sbarrier.arrive $0xFFFF;
	s2 =	simm.s32 @!p0 $0x1C09  }
0xea: {  	[timem:s3], [sflag:s2] =	dma.local @!p0 [hbm:s0], s1  }
0xeb: {  	s0 =	simm.s32 @!p0 $0x9  }
0xec: {  	_ =	swait.ge @!p0 [sflag:s0], s1  }
0xed: {  	s1 =	ssub.s32 @!p0 $0x0, s1;
	[sflag:s0] =	ssyncset.done @!p0 $0x0  }
0xee: {  	[sflag:s0] =	ssyncadd.s32 @!p0 s1  }
0xef: {  	[bflag:$0x3] =	sbarrier.arrive $0xFFFF  }
0xf0: {  	_ =	shalt  }

// kernel: kernel.9.cloned.1.call-start
scs
__scs_entry_jumppad:
0x0: {  	(pc) =	sbr.rel $0x88, $3  }
0x1: {  	(tag) =	ssettag $0x0;
	lr =	simm.s32 $0x1  }
0x2: {  	[smem:$0x3F99] =	sst lr;
	_ =	strace $0xD0000000  }
0x3: {  	_ = 	snop  }
0x4: {  	_ = 	snop  }
0x5: {  	_ = 	snop  }
0x6: {  	_ = 	snop  }
0x7: {  	_ = 	snop  }
__scs_overlays_trampoline_lowered:
0x8: {  	[smem:$0x3FA8] =	sst s0  }
0x9: {  	[smem:$0x3FA9] =	sst s1  }
0xa: {  	[smem:$0x3FAA] =	sst s2  }
0xb: {  	[smem:$0x3FAB] =	sst s3  }
0xc: {  	[smem:$0x3FAC] =	sst s4  }
0xd: {  	[smem:$0x3FAD] =	sst s5  }
0xe: {  	[smem:$0x3FAE] =	sst s6  }
0xf: {  	[smem:$0x3FAF] =	sst s7  }
0x10: {  	[smem:$0x3FB0] =	sst s8  }
0x11: {  	[smem:$0x3FB1] =	sst s9;
	s0 =	simm.s32 @!p0 $0x0  }
0x12: {  	s1 =	sld [smem:$0x3F97];
	s0 =	simm.s32 @p0 $0x1  }
0x13: {  	[smem:$0x3FB2] =	sst s0;
	s0 =	simm.s32 @!p1 $0x0  }
0x14: {  	s2 =	sld [smem:$0x3F96];
	s0 =	simm.s32 @p1 $0x1  }
0x15: {  	[smem:$0x3FB3] =	sst s0;
	s0 =	simm.s32 @!p2 $0x0  }
0x16: {  	s3 =	sld [smem:$0x3FDB];
	s0 =	simm.s32 @p2 $0x1  }
0x17: {  	s4 =	simm.s32 $0x1BF5;
	[smem:$0x3FB5] =	sst s0  }
0x18: {  	s0 =	sld [smem:$0x3F98];
	_ =	swait.ge [sflag:s4], $0x0  }
0x19: {  	s7 =	sld [smem:$0x3F99]  }
0x1a: {  	s8 =	sadd.s32 $0xFFFFE003, lr  }
0x1b: {  	s9 =	sadd.s32 $0xFFFFFEF7, lr;
	s5 =	simm.s32 $0xFFFFFFFF;
	p2 =	slt.u32 s8, $0xFFFFF086  }
0x1c: {  	p1 =	slt.u32 s9, $0xF7A;
	s5 =	simm.s32 @!p2 $0x0  }
0x1d: {  	s5 =	simm.s32 @p1 $0x1;
	p0 =	seq.s32 s7, s2  }
0x1e: {  	s7 =	smul.u32 @!p0 $0xF7A, s2;
	p2 =	seq.s32 @!p0 s5, $0x0  }
0x1f: {  	s9 =	smul.u32 $0xF7A, s1;
	s8 =	simm.s32 @!p0 $0x1BF5;
	p2 =	por !p2, p0  }
0x20: {  	[sflag:s8] =	ssyncset.s32 @!p0 $0xFFFFF086;
	s6 =	sadd.s32 @!p0 s3, s7;
	s7 =	simm.s32 @!p0 $0x108  }
0x21: {  	s3 =	sadd.s32 s3, s9;
	s6 =	sadd.s32 @!p0 $0x88, s6;
	s7 =	simm.s32 @p2 $0x1082  }
0x22: {  	[simem:s7], [sflag:s8] =	dma.local @!p0 [hbm:s6], $0xF7A  }
0x23: {  	s9 =	sor.u32 $0xD0000000, s2;
	s6 =	simm.s32 $0x108;
	_ =	swait.ge @!p0 [sflag:s8], $0x0  }
0x24: {  	s3 =	sadd.s32 $0x88, s3;
	s6 =	simm.s32 @!p1 $0x1082;
	[sflag:s4] =	ssyncset.s32 $0xFFFFF086  }
0x25: {  	[simem:s6], [sflag:s4] =	dma.local [hbm:s3], $0xF7A  }
0x26: {  	[smem:$0x3F99] =	sst s1;
	(tag) =	ssettag s2;
	_ =	strace s9  }
0x27: {  	s1 =	sld [smem:$0x3FA9]  }
0x28: {  	s2 =	sld [smem:$0x3FAA]  }
0x29: {  	s4 =	sld [smem:$0x3FAC]  }
0x2a: {  	p0 =	seq.s32 s5, $0x0;
	s5 =	sld [smem:$0x3FAD]  }
0x2b: {  	s6 =	sld [smem:$0x3FAE]  }
0x2c: {  	s7 =	sld [smem:$0x3FAF]  }
0x2d: {  	s3 =	simm.s32 $0x108;
	s8 =	sld [smem:$0x3FB0]  }
0x2e: {  	s3 =	simm.s32 @!p0 $0x1082;
	s9 =	sld [smem:$0x3FB1]  }
0x2f: {  	lr =	sadd.s32 s0, s3;
	s0 =	sld [smem:$0x3FA8]  }
0x30: {  	s3 =	sld [smem:$0x3FAB]  }
0x31: {  	[smem:$0x3FB4] =	sst s10  }
0x32: {  	s10 =	sld [smem:$0x3FB2];
	_ =	sdelay $0x3  }
0x33: {  	p0 =	seq.s32 s10, $0x1;
	s10 =	sld [smem:$0x3FB4];
	_ =	sdelay $0x3  }
0x34: {  	[smem:$0x3FB4] =	sst s10  }
0x35: {  	s10 =	sld [smem:$0x3FB3];
	_ =	sdelay $0x3  }
0x36: {  	p1 =	seq.s32 s10, $0x1;
	s10 =	sld [smem:$0x3FB4];
	_ =	sdelay $0x3  }
0x37: {  	[smem:$0x3FB4] =	sst s10  }
0x38: {  	s10 =	sld [smem:$0x3FB5]  }
0x39: {  	_ = 	snop;
	(pc) =	sbr.ind lr, $3  }
0x3a: {  	_ = 	snop  }
0x3b: {  	_ = 	snop  }
0x3c: {  	p2 =	seq.s32 s10, $0x1;
	s10 =	sld [smem:$0x3FB4]  }
0x3d: {  	_ =	shalt  }
0x3e: {  	_ =	shalt  }
0x3f: {  	_ =	shalt  }
0x40: {  	_ =	shalt  }
0x41: {  	_ =	shalt  }
0x42: {  	_ =	shalt  }
0x43: {  	_ =	shalt  }
0x44: {  	_ =	shalt  }
0x45: {  	_ =	shalt  }
0x46: {  	_ =	shalt  }
0x47: {  	_ =	shalt  }
0x48: {  	_ =	shalt  }
0x49: {  	_ =	shalt  }
0x4a: {  	_ =	shalt  }
0x4b: {  	_ =	shalt  }
0x4c: {  	_ =	shalt  }
0x4d: {  	_ =	shalt  }
0x4e: {  	_ =	shalt  }
0x4f: {  	_ =	shalt  }
0x50: {  	_ =	shalt  }
0x51: {  	_ =	shalt  }
0x52: {  	_ =	shalt  }
0x53: {  	_ =	shalt  }
0x54: {  	_ =	shalt  }
0x55: {  	_ =	shalt  }
0x56: {  	_ =	shalt  }
0x57: {  	_ =	shalt  }
0x58: {  	_ =	shalt  }
0x59: {  	_ =	shalt  }
0x5a: {  	_ =	shalt  }
0x5b: {  	_ =	shalt  }
0x5c: {  	_ =	shalt  }
0x5d: {  	_ =	shalt  }
0x5e: {  	_ =	shalt  }
0x5f: {  	_ =	shalt  }
0x60: {  	_ =	shalt  }
0x61: {  	_ =	shalt  }
0x62: {  	_ =	shalt  }
0x63: {  	_ =	shalt  }
0x64: {  	_ =	shalt  }
0x65: {  	_ =	shalt  }
0x66: {  	_ =	shalt  }
0x67: {  	_ =	shalt  }
0x68: {  	_ =	shalt  }
0x69: {  	_ =	shalt  }
0x6a: {  	_ =	shalt  }
0x6b: {  	_ =	shalt  }
0x6c: {  	_ =	shalt  }
0x6d: {  	_ =	shalt  }
0x6e: {  	_ =	shalt  }
0x6f: {  	_ =	shalt  }
0x70: {  	_ =	shalt  }
0x71: {  	_ =	shalt  }
0x72: {  	_ =	shalt  }
0x73: {  	_ =	shalt  }
0x74: {  	_ =	shalt  }
0x75: {  	_ =	shalt  }
0x76: {  	_ =	shalt  }
0x77: {  	_ =	shalt  }
0x78: {  	_ =	shalt  }
0x79: {  	_ =	shalt  }
0x7a: {  	_ =	shalt  }
0x7b: {  	_ =	shalt  }
0x7c: {  	_ =	shalt  }
0x7d: {  	_ =	shalt  }
0x7e: {  	_ =	shalt  }
0x7f: {  	_ =	shalt  }
0x80: {  	_ =	shalt  }
0x81: {  	_ =	shalt  }
0x82: {  	_ =	shalt  }
0x83: {  	_ =	shalt  }
0x84: {  	_ =	shalt  }
0x85: {  	_ =	shalt  }
0x86: {  	_ =	shalt  }
0x87: {  	_ =	shalt  }
.Lfunc_end0:
.L_simem_size_0:
called_computation.1_lowered:
.L_overlay_start_0:
0x88: {  	s2 =	sld [smem:$0x3FD9]  }
0x89: {  	s3 =	sld [smem:$0x3FFE];
	_ =	sdelay $0x1  }
0x8a: {  	s1 =	srdreg.scid  }
0x8b: {  	s0 =	sand.u32 $0x1, s1  }
0x8c: {  	s17 =	sshll.u32 s0, $0xA;
	s2 =	sadd.s32 s3, s2  }
0x8d: {  	s2 =	sadd.s32 s2, s17  }
0x8e: {  	[smem:$0x3FC0] =	sst s2  }
0x8f: {  	_ = 	snop  }
0x90: {  	s2 =	sld [smem:$0x3FD0];
	(tm) =	ssettm $0x1  }
0x91: {  	s18 =	sld [smem:$0x3FFB];
	_ =	sdelay $0x3  }
0x92: {  	_ =	strace s18  }
0x93: {  	s3 =	sld [smem:$0x3FFC];
	_ =	sdelay $0x3  }
0x94: {  	_ =	strace s3  }
0x95: {  	s3 =	sld [smem:$0x3FFD];
	_ =	sdelay $0x3  }
0x96: {  	_ =	strace s3  }
0x97: {  	_ =	strace $0x8FFFFFFF  }
0x98: {  	s19 =	sld [smem:$0x3FDB];
	_ =	sdelay $0x1  }
0x99: {  	s4 =	simm.s32 $_scs_section_size  }
0x9a: {  	s5 =	simm.s32 $_size__tile_overlayer_lowered;
	s6 =	simm.s32 $_tile_overlayer_lowered  }
0x9b: {  	s22 =	simm.s32 $0x1BFF;
	s21 =	sshll.u32 s6, $0x1;
	s3 =	sadd.s32 s4, s19  }
0x9c: {  	s7 =	simm.s32 $0x0;
	s20 =	sshll.u32 s5, $0x1;
	s5 =	sadd.s32 s21, s3  }
0x9d: {  	[timem:s7], [sflag:s22] =	dma.local [hbm:s5], s20  }
0x9e: {  	_ =	swait.ge [sflag:s22], s20  }
0x9f: {  	s4 =	ssub.s32 $0x0, s20;
	[sflag:s22] =	ssyncset.done $0x0  }
0xa0: {  	[sflag:s22] =	ssyncadd.s32 s4;
	_ =	sdelay $0x1  }
0xa1: {  	s23 =	simm.s32 $0x1B8B  }
0xa2: {  	_ =	swait.ge [sflag:s23], $0x1  }
0xa3: {  	[sflag:s23] =	ssyncset.done $0x0  }
0xa4: {  	s25 =	simm.s32 $0x1B8E;
	s24 =	sld [smem:$0x3FFE];
	[sflag:s23] =	ssyncadd.s32 $0xFFFFFFFF  }
0xa5: {  	s26 =	simm.s32 $execute0_lowered;
	[smem:$0x3FD2] =	sst s25  }
0xa6: {  	s5 =	sshll.u32 s26, $0x1;
	_ =	strace $0x80000049;
	[dreg:$0x1] =	wrdreg $0xFFFFFFFF  }
0xa7: {  	s28 =	simm.s32 $_size_execute0_lowered;
	s3 =	sadd.s32 s3, s5;
	[dreg:$0x0] =	wrdreg $0x0  }
0xa8: {  	s5 =	sshll.u32 s28, $0x1;
	[dreg:$0x2] =	wrdreg s3  }
0xa9: {  	[dreg:$0x3] =	wrdreg s5  }
0xaa: {  	[dreg:$0x4] =	wrdreg $0xC0  }
0xab: {  	_ =	task [dreg:s7], $0x5FFFF  }
0xac: {  	[dreg:$0x1] =	wrdreg $0xFFFFFFFF  }
0xad: {  	[dreg:$0x0] =	wrdreg $0x60  }
0xae: {  	[dreg:$0x2] =	wrdreg s24  }
0xaf: {  	[dreg:$0x3] =	wrdreg s2  }
0xb0: {  	[dreg:$0x4] =	wrdreg $0x13A00  }
0xb1: {  	[dreg:$0x5] =	wrdreg $0x9  }
0xb2: {  	_ =	task.clear_ibuf [dreg:s7], $0x6FFFF;
	_ =	strace $0x90000049  }
0xb3: {  	s29 =	simm.s32 $0x9;
	_ =	strace $0x8000004B  }
0xb4: {  	_ =	swait.ge [sflag:s29], $0x1  }
0xb5: {  	[sflag:s29] =	ssyncadd.s32 $0xFFFFFFFF  }
0xb6: {  	_ =	strace $0x9000004B  }
0xb7: {  	_ =	sfence  }
0xb8: {  	s30 =	sld [smem:$0x0];
	_ =	sdelay $0x2  }
0xb9: {  	s31 =	sshll.u32 s1, $0xD;
	s1 =	sshrl.u32 s1, $0x2  }
0xba: {  	s3 =	sand.u32 $0x4000, s31;
	s1 =	sadd.s32 s1, s30  }
0xbb: {  	s0 =	sor.u32 s3, s0;
	s1 =	sshll.u32 s1, $0x11  }
0xbc: {  	s0 =	sor.u32 s1, s0  }
0xbd: {  	s0 =	sadd.s32 $0x8F2B, s0  }
0xbe: {  	[sflag:s0] =	ssyncadd.remote.s32 $0x1  }
0xbf: {  	_ =	sfence.sel $0xFFFF  }
0xc0: {  	[dreg:$0x0] =	wrdreg $0xFFFFFFFF;
	(pc) =	sbr.abs _section_cstart, $3  }
0xc1: {  	[dreg:$0x1] =	wrdreg $0xFFFFFFFF  }
0xc2: {  	_ =	task.clear_ibuf [dreg:s7], $0x2FFFF;
	_ =	strace $0x9FFFFFFF  }
0xc3: {  	(tm) =	ssettm $0x7FFFFFFF  }
tec
execute0_lowered:
.L_overlay_start_1:
0x0: {  	(tag) =	ssettag $0x1  }
0x1: {  	s0 =	rddreg [dreg:$0x0]  }
0x2: {  	s1 =	srdreg.scid;
	s12 =	stileid.u32  }
0x3: {  	s3 =	rddreg [dreg:$0x2];
	s4 =	simm.s32 $0x0;
	s13 =	simm.s32 $0xFA0  }
0x4: {  	s28 =	simm.s32 $0x1220;
	s29 =	simm.s32 $0x4;
	s30 =	simm.s32 $0x8  }
0x5: {  	s31 =	simm.s32 $0x1320;
	s1 =	sand.u32 $0x1, s1;
	s2 =	smul.u32 $0x2800, s12  }
0x6: {  	[smem:$0x7FF] =	sst s4;
	s5 =	sadd.s32 $0x16000, s0;
	s9 =	sadd.s32 $0x2000, s0  }
0x7: {  	s7 =	smul.u32 $0xA000, s12;
	s10 =	sshll.u32 s12, $0x1;
	s17 =	sshll.u32 s12, $0x6  }
0x8: {  	s12 =	simm.s32 $0x9;
	s6 =	smul.u32 $0x28000, s1;
	_ =	strace $0x8000004A  }
0x9: {  	s8 =	ssub.s32 $0x2, s1;
	s11 =	smul.u32 $0x5000, s1;
	s1 =	sor.u32 s1, s10  }
0xa: {  	s14 =	sshrl.u32 s8, $0x1;
	s1 =	smul.u32 $0x5000, s1;
	s6 =	sadd.s32 s2, s6  }
0xb: {  	s15 =	ssub.s32 s8, s14;
	s16 =	sadd.s32 s11, s7;
	s2 =	sadd.s32 s2, s3  }
0xc: {  	s14 =	simm.s32 $0x10A0;
	s6 =	sshrl.u32 s6, $0x3;
	s7 =	sor.u32 $0x500, s16  }
0xd: {  	s1 =	sshrl.u32 s1, $0x3;
	s21 =	sor.u32 $0x400, s16;
	s23 =	sor.u32 $0x300, s16  }
0xe: {  	s8 =	sor.u32 $0x200, s16;
	s10 =	smax.u32 s15, $0x1;
	s15 =	simm.s32 $0x1  }
0xf: {  	s16 =	simm.s32 $0x7D;
	s0 =	sadd.s32 s6, s0;
	s6 =	sor.u32 $0x1C09, s17  }
0x10: {  	s18 =	sshrl.u32 s7, $0x3;
	s19 =	sadd.s32 s9, s1;
	s22 =	sshrl.u32 s21, $0x3  }
0x11: {  	s11 =	sshrl.u32 s23, $0x3;
	s25 =	sshrl.u32 s8, $0x3;
	s17 =	simm.s32 $0x11A0  }
0x12: {  	s21 =	simm.s32 $0x7D0;
	s20 =	sadd.s32 s18, s9;
	[dreg:$0x8] =	wrdreg s19  }
0x13: {  	s23 =	simm.s32 $0x6;
	s1 =	sadd.s32 s22, s9;
	[dreg:$0x4] =	wrdreg s20  }
0x14: {  	s24 =	sadd.s32 s11, s9;
	s7 =	sadd.s32 $0x20, s19;
	[dreg:$0x5] =	wrdreg s1  }
0x15: {  	s26 =	sadd.s32 s25, s9;
	s0 =	sadd.s32 $0x1B000, s0;
	[dreg:$0x9] =	wrdreg s7  }
0x16: {  	s11 =	sshrl.u32 s2, $0x3;
	s18 =	simm.s32 $0x5;
	[dreg:$0x6] =	wrdreg s24  }
0x17: {  	s19 =	simm.s32 $0x1020;
	s22 =	simm.s32 $0x12A0;
	[dreg:$0xa] =	wrdreg s0  }
0x18: {  	s25 =	simm.s32 $0x3;
	[dreg:$0x7] =	wrdreg s26;
	s20 =	simm.s32 $0x2  }
0x19: {  	s24 =	simm.s32 $0x1120;
	s26 =	simm.s32 $0x7;
	s1 =	simm.s32 $0x0  }
.LBB2_1:
0x1a: {  	s0 =	rddreg [dreg:$0x1]  }
0x1b: {  	[spmem:s11], [sflag:s6] =	dma.local [hbm:s0], $0x500  }
0x1c: {  	_ =	swait.ge [sflag:s12], $0x500  }
0x1d: {  	[sflag:s12] =	ssyncset.done $0x0  }
0x1e: {  	[sflag:s12] =	ssyncadd.s32 $0xFFFFFB00  }
0x1f: {  	[bflag:$0x0] =	sbarrier.arrive $0xFFFF  }
0x20: {  	s9 =	rddreg [dreg:$0x8]  }
0x21: {  	[tilespmem:s13], [sflag:$0x1] =	stream.linear.gather [hbm4b:s9+s4], $0x100, $0x38;
	[tilespmem:$0x3BA0] =	vst v63  }
0x22: {  	s2 =	rddreg [dreg:$0x9]  }
0x23: {  	[tilespmem:s14], [sflag:$0x2] =	stream.linear.gather [hbm4b:s2+s4], $0x100, $0x38;
	[tilespmem:$0x3BA0] =	vst v63  }
0x24: {  	_ =	swait.ge [sflag:s15], $0x100  }
0x25: {  	p0 =	por $0x1, $0x1;
	[sflag:s15] =	ssyncset.done $0x0  }
0x26: {  	s0 =	simm.s32 @!p0 $0x7;
	[sflag:s15] =	ssyncadd.s32 $0xFFFFFF00  }
0x27: {  	_ =	swait.ge @!p0 [sflag:s0], $0x7D0  }
0x28: {  	[sflag:s0] =	ssyncset.done @!p0 $0x0  }
0x29: {  	s2 =	rddreg [dreg:$0x7];
	[sflag:s0] =	ssyncadd.s32 @!p0 $0xFFFFF830  }
0x2a: {  	[tilespmem:s4], [sflag:$0x5] =	stream.indirect.gather [hbm4b:s5+s16], $0x10, s13, s16, $0xb8;
	[tilespmem:$0x3BA0] =	vst v63  }
0x2b: {  	s7 =	sadd.s32 $0x0, s2  }
0x2c: {  	[tilespmem:s17], [sflag:$0x3] =	stream.linear.gather [hbm4b:s7+s4], $0x100, $0x38;
	[tilespmem:$0x3BA0] =	vst v63  }
0x2d: {  	_ =	swait.ge [sflag:s18], $0x7D0  }
0x2e: {  	[sflag:s18] =	ssyncset.done $0x0  }
0x2f: {  	[sflag:s18] =	ssyncadd.s32 $0xFFFFF830  }
0x30: {  	[spmem:s3] =	stream.indirect.scatter.add.f32 [tilespmem:s4], [sflag:$0x7], $0x10, s19, s16, $0xb8;
	[tilespmem:$0x3BA0] =	vst v63  }
0x31: {  	_ =	swait.ge [sflag:s20], $0x100  }
0x32: {  	[sflag:s20] =	ssyncset.done $0x0  }
0x33: {  	s0 =	simm.s32 @!p0 $0x8;
	[sflag:s20] =	ssyncadd.s32 $0xFFFFFF00  }
0x34: {  	_ =	swait.ge @!p0 [sflag:s0], $0x7D0  }
0x35: {  	[sflag:s0] =	ssyncset.done @!p0 $0x0  }
0x36: {  	s8 =	rddreg [dreg:$0x6];
	[sflag:s0] =	ssyncadd.s32 @!p0 $0xFFFFF830  }
0x37: {  	[tilespmem:s21], [sflag:$0x6] =	stream.indirect.gather [hbm4b:s5+s16], $0x10, s14, s16, $0xb8;
	[tilespmem:$0x3BA0] =	vst v63  }
0x38: {  	s9 =	sadd.s32 $0x0, s8  }
0x39: {  	[tilespmem:s22], [sflag:$0x4] =	stream.linear.gather [hbm4b:s9+s4], $0x100, $0x38;
	[tilespmem:$0x3BA0] =	vst v63  }
0x3a: {  	_ =	swait.ge [sflag:s23], $0x7D0  }
0x3b: {  	[sflag:s23] =	ssyncset.done $0x0  }
0x3c: {  	[sflag:s23] =	ssyncadd.s32 $0xFFFFF830  }
0x3d: {  	[spmem:s3] =	stream.indirect.scatter.add.f32 [tilespmem:s21], [sflag:$0x8], $0x10, s24, s16, $0xb8;
	[tilespmem:$0x3BA0] =	vst v63  }
0x3e: {  	_ =	swait.ge [sflag:s25], $0x100  }
0x3f: {  	[sflag:s25] =	ssyncset.done $0x0  }
0x40: {  	[sflag:s25] =	ssyncadd.s32 $0xFFFFFF00  }
0x41: {  	_ =	swait.ge [sflag:s26], $0x7D0  }
0x42: {  	[sflag:s26] =	ssyncset.done $0x0  }
0x43: {  	p0 =	por $0x0, $0x0;
	s0 =	rddreg [dreg:$0x5];
	[sflag:s26] =	ssyncadd.s32 $0xFFFFF830  }
0x44: {  	[tilespmem:s4], [sflag:$0x5] =	stream.indirect.gather [hbm4b:s5+s16], $0x10, s17, s16, $0xb8;
	[tilespmem:$0x3BA0] =	vst v63  }
0x45: {  	s2 =	simm.s32 @!p0 $0x0;
	s7 =	simm.s32 @!p0 $0xFA0;
	s0 =	sadd.s32 @!p0 $0x0, s0  }
0x46: {  	[tilespmem:s7], [sflag:$0x1] =	stream.linear.gather @!p0 [hbm4b:s0+s2], $0x100, $0x38;
	[tilespmem:$0x3BA0] =	vst v63  }
0x47: {  	_ =	swait.ge [sflag:s18], $0x7D0  }
0x48: {  	[sflag:s18] =	ssyncset.done $0x0  }
0x49: {  	[sflag:s18] =	ssyncadd.s32 $0xFFFFF830  }
0x4a: {  	[spmem:s3] =	stream.indirect.scatter.add.f32 [tilespmem:s4], [sflag:$0x7], $0x10, s28, s16, $0xb8;
	[tilespmem:$0x3BA0] =	vst v63  }
0x4b: {  	_ =	swait.ge [sflag:s29], $0x100  }
0x4c: {  	[sflag:s29] =	ssyncset.done $0x0  }
0x4d: {  	[sflag:s29] =	ssyncadd.s32 $0xFFFFFF00  }
0x4e: {  	_ =	swait.ge [sflag:s30], $0x7D0  }
0x4f: {  	[sflag:s30] =	ssyncset.done $0x0  }
0x50: {  	s0 =	rddreg [dreg:$0x4];
	[sflag:s30] =	ssyncadd.s32 $0xFFFFF830  }
0x51: {  	[tilespmem:s21], [sflag:$0x6] =	stream.indirect.gather [hbm4b:s5+s16], $0x10, s22, s16, $0xb8;
	[tilespmem:$0x3BA0] =	vst v63  }
0x52: {  	s7 =	simm.s32 @!p0 $0x10A0;
	s0 =	sadd.s32 @!p0 $0x0, s0  }
0x53: {  	[tilespmem:s7], [sflag:$0x2] =	stream.linear.gather @!p0 [hbm4b:s0+s2], $0x100, $0x38;
	[tilespmem:$0x3BA0] =	vst v63  }
0x54: {  	_ =	swait.ge [sflag:s23], $0x7D0  }
0x55: {  	[sflag:s23] =	ssyncset.done $0x0  }
0x56: {  	s0 =	simm.s32 $0x80;
	[sflag:s23] =	ssyncadd.s32 $0xFFFFF830  }
.LBB2_2:
0x57: {  	[spmem:s3] =	stream.indirect.scatter.add.f32 [tilespmem:s21], [sflag:$0x8], $0x10, s31, s16, $0xb8;
	[tilespmem:$0x3BA0] =	vst v63  }
0x58: {  	s2 =	smov.u32 s0;
	_ =	swait.ge [sflag:s15], $0x100  }
0x59: {  	p1 =	seq.s32 s2, $0x0;
	[sflag:s15] =	ssyncset.done $0x0  }
0x5a: {  	s7 =	simm.s32 @!p1 $0x7;
	[sflag:s15] =	ssyncadd.s32 $0xFFFFFF00  }
0x5b: {  	_ =	swait.ge @!p1 [sflag:s7], $0x7D0  }
0x5c: {  	[sflag:s7] =	ssyncset.done @!p1 $0x0  }
0x5d: {  	s8 =	rddreg [dreg:$0x7];
	[sflag:s7] =	ssyncadd.s32 @!p1 $0xFFFFF830  }
0x5e: {  	[tilespmem:s4], [sflag:$0x5] =	stream.indirect.gather [hbm4b:s5+s16], $0x10, s13, s16, $0xb8;
	[tilespmem:$0x3BA0] =	vst v63  }
0x5f: {  	s8 =	sadd.s32 s2, s8  }
0x60: {  	[tilespmem:s17], [sflag:$0x3] =	stream.linear.gather [hbm4b:s8+s4], $0x100, $0x38;
	[tilespmem:$0x3BA0] =	vst v63  }
0x61: {  	_ =	swait.ge [sflag:s18], $0x7D0  }
0x62: {  	[sflag:s18] =	ssyncset.done $0x0  }
0x63: {  	[sflag:s18] =	ssyncadd.s32 $0xFFFFF830  }
0x64: {  	[spmem:s3] =	stream.indirect.scatter.add.f32 [tilespmem:s4], [sflag:$0x7], $0x10, s19, s16, $0xb8;
	[tilespmem:$0x3BA0] =	vst v63  }
0x65: {  	_ =	swait.ge [sflag:s20], $0x100  }
0x66: {  	[sflag:s20] =	ssyncset.done $0x0  }
0x67: {  	s7 =	simm.s32 @!p1 $0x8;
	[sflag:s20] =	ssyncadd.s32 $0xFFFFFF00  }
0x68: {  	_ =	swait.ge @!p1 [sflag:s7], $0x7D0  }
0x69: {  	[sflag:s7] =	ssyncset.done @!p1 $0x0  }
0x6a: {  	s9 =	rddreg [dreg:$0x6];
	[sflag:s7] =	ssyncadd.s32 @!p1 $0xFFFFF830  }
0x6b: {  	[tilespmem:s21], [sflag:$0x6] =	stream.indirect.gather [hbm4b:s5+s16], $0x10, s14, s16, $0xb8;
	[tilespmem:$0x3BA0] =	vst v63  }
0x6c: {  	s9 =	sadd.s32 s2, s9  }
0x6d: {  	[tilespmem:s22], [sflag:$0x4] =	stream.linear.gather [hbm4b:s9+s4], $0x100, $0x38;
	[tilespmem:$0x3BA0] =	vst v63  }
0x6e: {  	_ =	swait.ge [sflag:s23], $0x7D0  }
0x6f: {  	[sflag:s23] =	ssyncset.done $0x0  }
0x70: {  	[sflag:s23] =	ssyncadd.s32 $0xFFFFF830  }
0x71: {  	[spmem:s3] =	stream.indirect.scatter.add.f32 [tilespmem:s21], [sflag:$0x8], $0x10, s24, s16, $0xb8;
	[tilespmem:$0x3BA0] =	vst v63  }
0x72: {  	_ =	swait.ge [sflag:s25], $0x100  }
0x73: {  	[sflag:s25] =	ssyncset.done $0x0  }
0x74: {  	[sflag:s25] =	ssyncadd.s32 $0xFFFFFF00  }
0x75: {  	_ =	swait.ge [sflag:s26], $0x7D0  }
0x76: {  	[sflag:s26] =	ssyncset.done $0x0  }
0x77: {  	p1 =	seq.s32 s2, $0x980;
	s7 =	rddreg [dreg:$0x5];
	[sflag:s26] =	ssyncadd.s32 $0xFFFFF830  }
0x78: {  	[tilespmem:s4], [sflag:$0x5] =	stream.indirect.gather [hbm4b:s5+s16], $0x10, s17, s16, $0xb8;
	[tilespmem:$0x3BA0] =	vst v63  }
0x79: {  	s8 =	simm.s32 @!p1 $0x0;
	s9 =	simm.s32 @!p1 $0xFA0;
	s7 =	sadd.s32 @!p1 s2, s7  }
0x7a: {  	[tilespmem:s9], [sflag:$0x1] =	stream.linear.gather @!p1 [hbm4b:s7+s8], $0x100, $0x38;
	[tilespmem:$0x3BA0] =	vst v63  }
0x7b: {  	_ =	swait.ge [sflag:s18], $0x7D0  }
0x7c: {  	[sflag:s18] =	ssyncset.done $0x0  }
0x7d: {  	[sflag:s18] =	ssyncadd.s32 $0xFFFFF830  }
0x7e: {  	[spmem:s3] =	stream.indirect.scatter.add.f32 [tilespmem:s4], [sflag:$0x7], $0x10, s28, s16, $0xb8;
	[tilespmem:$0x3BA0] =	vst v63  }
0x7f: {  	_ =	swait.ge [sflag:s29], $0x100  }
0x80: {  	[sflag:s29] =	ssyncset.done $0x0  }
0x81: {  	[sflag:s29] =	ssyncadd.s32 $0xFFFFFF00  }
0x82: {  	_ =	swait.ge [sflag:s30], $0x7D0  }
0x83: {  	s0 =	sadd.s32 $0x80, s0;
	[sflag:s30] =	ssyncset.done $0x0  }
0x84: {  	p0 =	sne.s32 s0, $0xA00;
	s7 =	rddreg [dreg:$0x4];
	[sflag:s30] =	ssyncadd.s32 $0xFFFFF830  }
0x85: {  	[tilespmem:s21], [sflag:$0x6] =	stream.indirect.gather [hbm4b:s5+s16], $0x10, s22, s16, $0xb8;
	[tilespmem:$0x3BA0] =	vst v63  }
.Ltmp0:
0x86: {  	s2 =	sadd.s32 @!p1 s2, s7;
	s7 =	simm.s32 @!p1 $0x10A0;
	(pc) =	sbr.rel @p0 .LBB2_2-.Ltmp0, $4  }
0x87: {  	[tilespmem:s7], [sflag:$0x2] =	stream.linear.gather @!p1 [hbm4b:s2+s8], $0x100, $0x38;
	[tilespmem:$0x3BA0] =	vst v63  }
0x88: {  	_ =	swait.ge [sflag:s23], $0x7D0  }
0x89: {  	[sflag:s23] =	ssyncset.done $0x0  }
0x8a: {  	[sflag:s23] =	ssyncadd.s32 $0xFFFFF830  }
0x8b: {  	[spmem:s3] =	stream.indirect.scatter.add.f32 [tilespmem:s21], [sflag:$0x8], $0x10, s31, s16, $0xb8;
	[tilespmem:$0x3BA0] =	vst v63  }
0x8c: {  	_ =	swait.ge [sflag:s26], $0x7D0  }
0x8d: {  	[sflag:s26] =	ssyncset.done $0x0  }
0x8e: {  	[sflag:s26] =	ssyncadd.s32 $0xFFFFF830  }
0x8f: {  	_ =	swait.ge [sflag:s30], $0x7D0  }
0x90: {  	[sflag:s30] =	ssyncset.done $0x0  }
0x91: {  	s1 =	sadd.s32 $0x1, s1;
	[sflag:s30] =	ssyncadd.s32 $0xFFFFF830  }
0x92: {  	p0 =	sne.s32 s1, s10;
	[bflag:$0x0] =	sbarrier.arrive $0xFFFF  }
.Ltmp1:
0x93: {  	s0 =	rddreg [dreg:$0xa];
	(pc) =	sbr.rel @p0 .LBB2_1-.Ltmp1, $4  }
0x94: {  	[hbm:s0], [sflag:s6] =	dma.local [spmem:s11], $0x500  }
0x95: {  	_ =	swait.ge [sflag:s12], $0x500  }
0x96: {  	[sflag:s12] =	ssyncset.done $0x0  }
0x97: {  	[sflag:s12] =	ssyncadd.s32 $0xFFFFFB00  }
0x98: {  	_ =	sfence.sel $0x180000  }
0x99: {  	[bflag:$0x0] =	sbarrier.arrive $0xFFFF  }
0x9a: {  	_ =	strace $0x9000004A  }
0x9b: {  	s0 =	stileid.u32;
	[bflag:$0x2] =	sbarrier.arrive $0xFFFF  }
0x9c: {  	p0 =	sne.s32 s0, $0x0;
	s0 =	rddreg [dreg:$0x3]  }
0x9d: {  	s0 =	sadd.s32 @!p0 $0x100000, s0  }
0x9e: {  	[sflag:s0] =	ssyncadd.tile.s32 @!p0 $0x1;
	_ =	shalt  }
.Lfunc_end2:
_tile_overlayer_lowered:
.L_overlay_start_2:
0x9f: {  	(tag) =	ssettag $0x2  }
0xa0: {  	s0 =	rddreg [dreg:$0x0];
	s2 =	stileid.u32  }
0xa1: {  	s1 =	rddreg [dreg:$0x1];
	p0 =	sne.s32 s2, $0x0  }
0xa2: {  	s3 =	rddreg [dreg:$0x2];
	[bflag:$0x3] =	sbarrier.arrive $0xFFFF;
	s2 =	simm.s32 @!p0 $0x1C09  }
0xa3: {  	[timem:s3], [sflag:s2] =	dma.local @!p0 [hbm:s0], s1  }
0xa4: {  	s0 =	simm.s32 @!p0 $0x9  }
0xa5: {  	_ =	swait.ge @!p0 [sflag:s0], s1  }
0xa6: {  	s1 =	ssub.s32 @!p0 $0x0, s1;
	[sflag:s0] =	ssyncset.done @!p0 $0x0  }
0xa7: {  	[sflag:s0] =	ssyncadd.s32 @!p0 s1  }
0xa8: {  	[bflag:$0x3] =	sbarrier.arrive $0xFFFF  }
0xa9: {  	_ =	shalt  }

</sc_bundles>
